<compile_context>
chip_gen: v7x
topology: tpu7x:2x2x1
jax: 0.10.2.dev20260603
libtpu: 0.0.44.dev20260713+nightly
codegen_flags: <defaults>
</compile_context>

<pallas_src>
import jax
import jax.numpy as jnp
from jax import lax
from jax.experimental import pallas as pl
from jax.experimental.pallas import tpu as pltpu
from jax.experimental.pallas import tpu_sc as plsc

M = 100000
D = 128
B = 16384
L = 16

NC = 2
NS = 16
NW = NC * NS

SLAB = 3128
LAST_SLAB = M - SLAB * (NW - 1)

CHUNKS = B // L
SHIFT = 14
BMASK = (1 << SHIFT) - 1
SENTINEL = 2**31 - 1
THRESHOLD = 0.85

RPB = 128
NBLK = (SLAB + RPB - 1) // RPB + 1

PIECES = 4
PIECE_ELEMS = B // PIECES
SEG_CHUNKS = CHUNKS // PIECES


def _sc_body(out_hbm, ms_hbm, val_hbm, vs_hbm, idx_hbm,
             idx_v, vs_v, ms_v, comp_v, pos_v, winb_v, wins_v, rows_v,
             shift_v, sem_i0, sem_i1, sem_i2, sem_i3, sem_v, sem_m,
             sem_g, sem_s):
    sem_ip = (sem_i0, sem_i1, sem_i2, sem_i3)
    wid = lax.axis_index("s") * NC + lax.axis_index("c")
    base = wid * SLAB
    n_slots = jnp.where(wid == NW - 1, LAST_SLAB, SLAB)

    cp_i = [
        pltpu.make_async_copy(idx_hbm.at[pl.ds(g * PIECE_ELEMS, PIECE_ELEMS)],
                              idx_v.at[pl.ds(g * PIECE_ELEMS, PIECE_ELEMS)],
                              sem_ip[g])
        for g in range(PIECES)
    ]
    cp_v = pltpu.make_async_copy(vs_hbm, vs_v, sem_v)
    for cp in cp_i:
        cp.start()
    cp_v.start()

    @pl.when(wid < NW - 1)
    def _():
        pltpu.make_async_copy(ms_hbm.at[pl.ds(base, SLAB)],
                              ms_v.at[pl.ds(0, SLAB)], sem_m).start()

    @pl.when(wid == NW - 1)
    def _():
        pltpu.make_async_copy(ms_hbm.at[pl.ds((NW - 1) * SLAB, LAST_SLAB)],
                              ms_v.at[pl.ds(0, LAST_SLAB)], sem_m).start()

    lanes = lax.iota(jnp.int32, L)

    n_slots_u = plsc.bitcast(n_slots + jnp.zeros((L,), jnp.int32), jnp.uint32)

    def pre_body(k, carry):
        nwm1, klv = carry
        iv = idx_v[pl.ds(k * L, L)]
        loc = iv - base
        inr = plsc.bitcast(loc, jnp.uint32) < n_slots_u
        p = nwm1 + plsc.cumsum(inr.astype(jnp.int32))
        c = (loc << SHIFT) | klv
        plsc.store_scatter(comp_v, [p], c, mask=inr)
        return (nwm1 + plsc.all_reduce_population_count(inr), klv + L)

    carry = (jnp.full((L,), -1, jnp.int32), lanes)
    for g in range(PIECES):
        cp_i[g].wait()
        carry = plsc.parallel_loop(
            g * SEG_CHUNKS, (g + 1) * SEG_CHUNKS, unroll=8, carry=carry,
        )(pre_body)
    nwm1, _ = carry
    nw = jnp.max(nwm1) + 1
    plsc.store_scatter(comp_v, [nw + lanes], jnp.full((L,), SENTINEL, jnp.int32))

    n_chunks = (nw + L - 1) // L

    def dedup_body(i, _):
        cv = comp_v[pl.ds(i * L, L)]
        cs = lax.sort(cv, dimension=0)
        shift_v[pl.ds(0, L)] = cs
        nxt = plsc.load_gather(shift_v, [jnp.minimum(lanes + 1, L - 1)])
        slot_s = lax.shift_right_logical(cs, SHIFT)
        win = ((slot_s != lax.shift_right_logical(nxt, SHIFT)) | (lanes == L - 1))
        win = win & (slot_s < n_slots)
        plsc.store_scatter(pos_v, [slot_s], cs & BMASK, mask=win)
        return jnp.int32(0)

    lax.fori_loop(0, n_chunks, dedup_body, jnp.int32(0))

    cp_v.wait()

    @pl.when(wid < NW - 1)
    def _():
        pltpu.make_async_copy(ms_hbm.at[pl.ds(base, SLAB)],
                              ms_v.at[pl.ds(0, SLAB)], sem_m).wait()

    @pl.when(wid == NW - 1)
    def _():
        pltpu.make_async_copy(ms_hbm.at[pl.ds((NW - 1) * SLAB, LAST_SLAB)],
                              ms_v.at[pl.ds(0, LAST_SLAB)], sem_m).wait()

    @plsc.parallel_loop(0, n_chunks, unroll=4, carry=jnp.int32(0))
    def select_carry(i, nwin):
        cv = comp_v[pl.ds(i * L, L)]
        slot_l = lax.shift_right_logical(cv, SHIFT)
        b_l = cv & BMASK
        valid = slot_l < n_slots
        slot_g = jnp.minimum(slot_l, n_slots - 1)
        pwin = plsc.load_gather(pos_v, [slot_g], mask=valid)
        vsv = plsc.load_gather(vs_v, [b_l])
        msv = plsc.load_gather(ms_v, [slot_g], mask=valid)
        m2 = valid & (pwin == b_l) & (vsv > THRESHOLD) & (vsv > msv)
        q = nwin + plsc.cumsum(m2.astype(jnp.int32)) - 1
        qh = lax.shift_right_logical(q, 7)
        ql = q & (RPB - 1)
        plsc.store_scatter(winb_v, [qh, ql], b_l, mask=m2)
        plsc.store_scatter(wins_v, [qh, ql], slot_l + base, mask=m2)
        return nwin + jnp.sum(m2.astype(jnp.int32))

    nwin = select_carry

    @pl.when(nwin > 0)
    def _():
        z = jnp.zeros((L,), jnp.int32)
        b0 = plsc.load_gather(winb_v, [z, z])
        s0 = plsc.load_gather(wins_v, [z, z])
        for t in range(RPB // L):
            p = nwin + lanes + t * L
            ph = lax.shift_right_logical(p, 7)
            plsc.store_scatter(winb_v, [ph, p & (RPB - 1)], b0)
            plsc.store_scatter(wins_v, [ph, p & (RPB - 1)], s0)

    n_blk = (nwin + RPB - 1) // RPB

    def dma_body(j, _):
        pltpu.async_copy(val_hbm.at[winb_v.at[j]], rows_v, sem_g).wait()
        pltpu.async_copy(rows_v, out_hbm.at[wins_v.at[j]], sem_s).wait()
        return jnp.int32(0)

    lax.fori_loop(0, n_blk, dma_body, jnp.int32(0))


_mesh = plsc.VectorSubcoreMesh(core_axis_name="c", subcore_axis_name="s")

_sc_update = pl.kernel(
    _sc_body,
    out_type=(),
    mesh=_mesh,
    compiler_params=pltpu.CompilerParams(needs_layout_passes=False),
    scratch_types=[
        pltpu.VMEM((B,), jnp.int32),
        pltpu.VMEM((B,), jnp.float32),
        pltpu.VMEM((SLAB,), jnp.float32),
        pltpu.VMEM((B + L,), jnp.int32),
        pltpu.VMEM((SLAB,), jnp.int32),
        pltpu.VMEM((NBLK, RPB), jnp.int32),
        pltpu.VMEM((NBLK, RPB), jnp.int32),
        pltpu.VMEM((RPB, D), jnp.float32),
        pltpu.VMEM((L,), jnp.int32),
        pltpu.SemaphoreType.DMA,
        pltpu.SemaphoreType.DMA,
        pltpu.SemaphoreType.DMA,
        pltpu.SemaphoreType.DMA,
        pltpu.SemaphoreType.DMA,
        pltpu.SemaphoreType.DMA,
        pltpu.SemaphoreType.DMA,
        pltpu.SemaphoreType.DMA,
    ],
)


def kernel(mem, mem_scores, val, val_scores, idx):
    out_ref = jax.new_ref(mem)
    _sc_update(out_ref, mem_scores, val, val_scores, idx)
    return jax.freeze(out_ref)

# --- scband reference (transcript-rebuilt; emitter-appended) ---
"""Pipeline reference for scband-template-enhance-82738249990858 (READ-ONLY COPY).

The authoritative reference and input builder live on the scoring server;
editing this copy changes nothing except your own understanding.
"""

import jax, jax.numpy as jnp
import numpy as np

M = 100000
D = 128
B = 16384

def setup_inputs(seed: int = 0) -> dict:
    key = jax.random.key(seed)
    k1, k2, k3, k4, k5 = jax.random.split(key, 5)
    mem = jax.random.normal(k1, (M, D), dtype=jnp.float32)
    mem_scores = jax.random.uniform(k2, (M,), dtype=jnp.float32)
    val = jax.random.normal(k3, (B, D), dtype=jnp.float32)
    val_scores = jax.random.uniform(k4, (B,), dtype=jnp.float32)
    idx = jax.random.randint(k5, (B,), 0, M, dtype=jnp.int32)
    return {"mem": mem, "mem_scores": mem_scores, "val": val, "val_scores": val_scores, "idx": idx}

def reference(mem, mem_scores, val, val_scores, idx):
    # Faithful distillation of Template_Enhance.update_memory:
    # 1) candidates below the 0.85 confidence threshold are zeroed (both feature
    #    template and score), mirroring `pos_template_idx = torch.zeros(...)` and
    #    `best_score[i] = 0` in the original.
    thr = jnp.float32(0.85)
    keep = val_scores > thr
    val_eff = jnp.where(keep[:, None], val, jnp.zeros_like(val))
    score_eff = jnp.where(keep, val_scores, jnp.zeros_like(val_scores))
    # 2) gather current scores of the targeted memory slots (argmin-slot lookup in
    #    the original loop) and conditionally overwrite the slot if the new score
    #    is higher, mirroring `self.memory[channel][locate][idx,:,:,:] = pos_template[...]`.
    old_scores = mem_scores[idx]
    replace = score_eff > old_scores
    gathered = mem[idx]
    new_rows = jnp.where(replace[:, None], val_eff, gathered)
    new_mem = mem.at[idx].set(new_rows)
    new_slot_scores = jnp.where(replace, score_eff, old_scores)
    new_mem_scores = mem_scores.at[idx].set(new_slot_scores)
    return new_mem

if __name__ == "__main__":
    import jax
    _d = setup_inputs()
    print(jax.jit(kernel)(*tuple(_d.values())))

</pallas_src>

<mosaic_0001>
#map = affine_map<(d0, d1) -> (0, 0)>
#map1 = affine_map<(d0, d1) -> (0)>
module attributes {stable_mosaic.version = 14 : i64} {
  func.func @new_body(%arg0: i32, %arg1: i32, %arg2: memref<100000x128xf32, #tpu.memory_space<hbm>>, %arg3: memref<100000xf32, #tpu.memory_space<hbm>>, %arg4: memref<16384x128xf32, #tpu.memory_space<hbm>>, %arg5: memref<16384xf32, #tpu.memory_space<hbm>>, %arg6: memref<16384xi32, #tpu.memory_space<hbm>>, %arg7: memref<100000x128xf32, #tpu.memory_space<hbm>>, %arg8: memref<16384xi32, #tpu.memory_space<vmem>>, %arg9: memref<16384xf32, #tpu.memory_space<vmem>>, %arg10: memref<3128xf32, #tpu.memory_space<vmem>>, %arg11: memref<16400xi32, #tpu.memory_space<vmem>>, %arg12: memref<3128xi32, #tpu.memory_space<vmem>>, %arg13: memref<26x128xi32, #tpu.memory_space<vmem>>, %arg14: memref<26x128xi32, #tpu.memory_space<vmem>>, %arg15: memref<128x128xf32, #tpu.memory_space<vmem>>, %arg16: memref<16xi32, #tpu.memory_space<vmem>>, %arg17: memref<!tpu.dma_semaphore, #tpu.memory_space<semaphore_mem>>, %arg18: memref<!tpu.dma_semaphore, #tpu.memory_space<semaphore_mem>>, %arg19: memref<!tpu.dma_semaphore, #tpu.memory_space<semaphore_mem>>, %arg20: memref<!tpu.dma_semaphore, #tpu.memory_space<semaphore_mem>>, %arg21: memref<!tpu.dma_semaphore, #tpu.memory_space<semaphore_mem>>, %arg22: memref<!tpu.dma_semaphore, #tpu.memory_space<semaphore_mem>>, %arg23: memref<!tpu.dma_semaphore, #tpu.memory_space<semaphore_mem>>, %arg24: memref<!tpu.dma_semaphore, #tpu.memory_space<semaphore_mem>>) attributes {dimension_semantics = [#tpu.dimension_semantics<core_parallel>, #tpu.dimension_semantics<subcore_parallel>], iteration_bounds = array<i64: 2, 16>, scalar_prefetch = 0 : i64, scratch_operands = 17 : i64, tpu.core_type = #tpu.core_type<sc_vector_subcore>, window_params = [{transform_indices = #map}, {transform_indices = #map1}, {transform_indices = #map}, {transform_indices = #map1}, {transform_indices = #map1}, {transform_indices = #map}]} {
    %mul3A = arith.constant 2 : i32
    %mul3A_0 = arith.muli %arg1, %mul3A : i32
    %add3A = arith.addi %mul3A_0, %arg0 : i32
    %mul3A_1 = arith.constant 3128 : i32
    %mul3A_2 = arith.muli %add3A, %mul3A_1 : i32
    %eq3A = arith.constant 31 : i32
    %eq3A_3 = arith.cmpi eq, %add3A, %eq3A : i32
    %jit3A = arith.constant 3032 : i32
    %jit3A_4 = arith.constant 3128 : i32
    %select_n3A = arith.select %eq3A_3, %jit3A, %jit3A_4 : i32
    %dma_start3A = arith.constant 0 : i32
    %dma_start3A_5 = tpu.memref_slice %arg8[%dma_start3A] : memref<16384xi32, #tpu.memory_space<vmem>> -> memref<4096xi32, #tpu.memory_space<vmem>>
    %dma_start3A_6 = arith.constant 0 : i32
    %dma_start3A_7 = tpu.memref_slice %arg6[%dma_start3A_6] : memref<16384xi32, #tpu.memory_space<hbm>> -> memref<4096xi32, #tpu.memory_space<hbm>>
    %dma_start3A_8 = arith.constant 0 : i32
    %dma_start3A_9 = tpu.memref_slice %arg8[%dma_start3A_8] : memref<16384xi32, #tpu.memory_space<vmem>> -> memref<4096xi32, #tpu.memory_space<vmem>>
    %dma_start3A_10 = arith.constant 0 : i32
    %dma_start3A_11 = tpu.memref_slice %arg6[%dma_start3A_10] : memref<16384xi32, #tpu.memory_space<hbm>> -> memref<4096xi32, #tpu.memory_space<hbm>>
    tpu.enqueue_dma source(%dma_start3A_11 : memref<4096xi32, #tpu.memory_space<hbm>>) target(%dma_start3A_9 : memref<4096xi32, #tpu.memory_space<vmem>>) target_semaphore(%arg17 : memref<!tpu.dma_semaphore, #tpu.memory_space<semaphore_mem>>)
    %dma_start3A_12 = arith.constant 4096 : i32
    %dma_start3A_13 = tpu.memref_slice %arg8[%dma_start3A_12] : memref<16384xi32, #tpu.memory_space<vmem>> -> memref<4096xi32, #tpu.memory_space<vmem>>
    %dma_start3A_14 = arith.constant 4096 : i32
    %dma_start3A_15 = tpu.memref_slice %arg6[%dma_start3A_14] : memref<16384xi32, #tpu.memory_space<hbm>> -> memref<4096xi32, #tpu.memory_space<hbm>>
    %dma_start3A_16 = arith.constant 4096 : i32
    %dma_start3A_17 = tpu.memref_slice %arg8[%dma_start3A_16] : memref<16384xi32, #tpu.memory_space<vmem>> -> memref<4096xi32, #tpu.memory_space<vmem>>
    %dma_start3A_18 = arith.constant 4096 : i32
    %dma_start3A_19 = tpu.memref_slice %arg6[%dma_start3A_18] : memref<16384xi32, #tpu.memory_space<hbm>> -> memref<4096xi32, #tpu.memory_space<hbm>>
    tpu.enqueue_dma source(%dma_start3A_19 : memref<4096xi32, #tpu.memory_space<hbm>>) target(%dma_start3A_17 : memref<4096xi32, #tpu.memory_space<vmem>>) target_semaphore(%arg18 : memref<!tpu.dma_semaphore, #tpu.memory_space<semaphore_mem>>)
    %dma_start3A_20 = arith.constant 8192 : i32
    %dma_start3A_21 = tpu.memref_slice %arg8[%dma_start3A_20] : memref<16384xi32, #tpu.memory_space<vmem>> -> memref<4096xi32, #tpu.memory_space<vmem>>
    %dma_start3A_22 = arith.constant 8192 : i32
    %dma_start3A_23 = tpu.memref_slice %arg6[%dma_start3A_22] : memref<16384xi32, #tpu.memory_space<hbm>> -> memref<4096xi32, #tpu.memory_space<hbm>>
    %dma_start3A_24 = arith.constant 8192 : i32
    %dma_start3A_25 = tpu.memref_slice %arg8[%dma_start3A_24] : memref<16384xi32, #tpu.memory_space<vmem>> -> memref<4096xi32, #tpu.memory_space<vmem>>
    %dma_start3A_26 = arith.constant 8192 : i32
    %dma_start3A_27 = tpu.memref_slice %arg6[%dma_start3A_26] : memref<16384xi32, #tpu.memory_space<hbm>> -> memref<4096xi32, #tpu.memory_space<hbm>>
    tpu.enqueue_dma source(%dma_start3A_27 : memref<4096xi32, #tpu.memory_space<hbm>>) target(%dma_start3A_25 : memref<4096xi32, #tpu.memory_space<vmem>>) target_semaphore(%arg19 : memref<!tpu.dma_semaphore, #tpu.memory_space<semaphore_mem>>)
    %dma_start3A_28 = arith.constant 12288 : i32
    %dma_start3A_29 = tpu.memref_slice %arg8[%dma_start3A_28] : memref<16384xi32, #tpu.memory_space<vmem>> -> memref<4096xi32, #tpu.memory_space<vmem>>
    %dma_start3A_30 = arith.constant 12288 : i32
    %dma_start3A_31 = tpu.memref_slice %arg6[%dma_start3A_30] : memref<16384xi32, #tpu.memory_space<hbm>> -> memref<4096xi32, #tpu.memory_space<hbm>>
    %dma_start3A_32 = arith.constant 12288 : i32
    %dma_start3A_33 = tpu.memref_slice %arg8[%dma_start3A_32] : memref<16384xi32, #tpu.memory_space<vmem>> -> memref<4096xi32, #tpu.memory_space<vmem>>
    %dma_start3A_34 = arith.constant 12288 : i32
    %dma_start3A_35 = tpu.memref_slice %arg6[%dma_start3A_34] : memref<16384xi32, #tpu.memory_space<hbm>> -> memref<4096xi32, #tpu.memory_space<hbm>>
    tpu.enqueue_dma source(%dma_start3A_35 : memref<4096xi32, #tpu.memory_space<hbm>>) target(%dma_start3A_33 : memref<4096xi32, #tpu.memory_space<vmem>>) target_semaphore(%arg20 : memref<!tpu.dma_semaphore, #tpu.memory_space<semaphore_mem>>)
    tpu.enqueue_dma source(%arg5 : memref<16384xf32, #tpu.memory_space<hbm>>) target(%arg9 : memref<16384xf32, #tpu.memory_space<vmem>>) target_semaphore(%arg21 : memref<!tpu.dma_semaphore, #tpu.memory_space<semaphore_mem>>)
    %lt3A = arith.constant 31 : i32
    %lt3A_36 = arith.cmpi slt, %add3A, %lt3A : i32
    %convert_element_type3A = arith.extui %lt3A_36 : i1 to i32
    %cond3A = arith.constant 0 : i32
    %cond3A_37 = arith.cmpi ne, %convert_element_type3A, %cond3A : i32
    scf.if %cond3A_37 {
      %dma_start3A_198 = arith.constant 0 : i32
      %dma_start3A_199 = tpu.memref_slice %arg10[%dma_start3A_198] : memref<3128xf32, #tpu.memory_space<vmem>> -> memref<3128xf32, #tpu.memory_space<vmem>>
      %dma_start3A_200 = tpu.memref_slice %arg3[%mul3A_2] : memref<100000xf32, #tpu.memory_space<hbm>> -> memref<3128xf32, #tpu.memory_space<hbm>>
      %dma_start3A_201 = arith.constant 0 : i32
      %dma_start3A_202 = tpu.memref_slice %arg10[%dma_start3A_201] : memref<3128xf32, #tpu.memory_space<vmem>> -> memref<3128xf32, #tpu.memory_space<vmem>>
      %dma_start3A_203 = tpu.memref_slice %arg3[%mul3A_2] : memref<100000xf32, #tpu.memory_space<hbm>> -> memref<3128xf32, #tpu.memory_space<hbm>>
      tpu.enqueue_dma source(%dma_start3A_203 : memref<3128xf32, #tpu.memory_space<hbm>>) target(%dma_start3A_202 : memref<3128xf32, #tpu.memory_space<vmem>>) target_semaphore(%arg22 : memref<!tpu.dma_semaphore, #tpu.memory_space<semaphore_mem>>)
    } else {
    }
    %eq3A_38 = arith.constant 31 : i32
    %eq3A_39 = arith.cmpi eq, %add3A, %eq3A_38 : i32
    %convert_element_type3A_40 = arith.extui %eq3A_39 : i1 to i32
    %cond3A_41 = arith.constant 0 : i32
    %cond3A_42 = arith.cmpi ne, %convert_element_type3A_40, %cond3A_41 : i32
    scf.if %cond3A_42 {
      %dma_start3A_198 = arith.constant 0 : i32
      %dma_start3A_199 = tpu.memref_slice %arg10[%dma_start3A_198] : memref<3128xf32, #tpu.memory_space<vmem>> -> memref<3032xf32, #tpu.memory_space<vmem>>
      %dma_start3A_200 = arith.constant 96968 : i32
      %dma_start3A_201 = tpu.memref_slice %arg3[%dma_start3A_200] : memref<100000xf32, #tpu.memory_space<hbm>> -> memref<3032xf32, #tpu.memory_space<hbm>>
      %dma_start3A_202 = arith.constant 0 : i32
      %dma_start3A_203 = tpu.memref_slice %arg10[%dma_start3A_202] : memref<3128xf32, #tpu.memory_space<vmem>> -> memref<3032xf32, #tpu.memory_space<vmem>>
      %dma_start3A_204 = arith.constant 96968 : i32
      %dma_start3A_205 = tpu.memref_slice %arg3[%dma_start3A_204] : memref<100000xf32, #tpu.memory_space<hbm>> -> memref<3032xf32, #tpu.memory_space<hbm>>
      tpu.enqueue_dma source(%dma_start3A_205 : memref<3032xf32, #tpu.memory_space<hbm>>) target(%dma_start3A_203 : memref<3032xf32, #tpu.memory_space<vmem>>) target_semaphore(%arg22 : memref<!tpu.dma_semaphore, #tpu.memory_space<semaphore_mem>>)
    } else {
    }
    %iota3A = tpu.iota {dimensions = array<i32: 0>} : vector<16xi32>
    %broadcast_in_dim3A = arith.constant 0 : i32
    %broadcast_in_dim3A_43 = vector.broadcast %broadcast_in_dim3A : i32 to vector<16xi32>
    %add3A_44 = vector.broadcast %select_n3A : i32 to vector<16xi32>
    %add3A_45 = arith.addi %add3A_44, %broadcast_in_dim3A_43 : vector<16xi32>
    %bitcast3A = vector.bitcast %add3A_45 : vector<16xi32> to vector<16xi32>
    %broadcast_in_dim3A_46 = arith.constant -1 : i32
    %broadcast_in_dim3A_47 = vector.broadcast %broadcast_in_dim3A_46 : i32 to vector<16xi32>
    %dma_wait3A = arith.constant 0 : i32
    %dma_wait3A_48 = tpu.memref_slice %arg8[%dma_wait3A] : memref<16384xi32, #tpu.memory_space<vmem>> -> memref<4096xi32, #tpu.memory_space<vmem>>
    %dma_wait3A_49 = arith.constant 0 : i32
    %dma_wait3A_50 = tpu.memref_slice %arg6[%dma_wait3A_49] : memref<16384xi32, #tpu.memory_space<hbm>> -> memref<4096xi32, #tpu.memory_space<hbm>>
    %dma_wait3A_51 = arith.constant 0 : i32
    %dma_wait3A_52 = tpu.memref_slice %arg8[%dma_wait3A_51] : memref<16384xi32, #tpu.memory_space<vmem>> -> memref<4096xi32, #tpu.memory_space<vmem>>
    %dma_wait3A_53 = arith.constant 0 : i32
    %dma_wait3A_54 = tpu.memref_slice %arg6[%dma_wait3A_53] : memref<16384xi32, #tpu.memory_space<hbm>> -> memref<4096xi32, #tpu.memory_space<hbm>>
    tpu.wait_dma2 semaphore(%arg17 : memref<!tpu.dma_semaphore, #tpu.memory_space<semaphore_mem>>) src(%dma_wait3A_54 : memref<4096xi32, #tpu.memory_space<hbm>>) dst(%dma_wait3A_52 : memref<4096xi32, #tpu.memory_space<vmem>>)
    %parallel_loop3A = arith.constant 0 : i32
    %parallel_loop3A_55 = arith.constant 256 : i32
    %parallel_loop3A_56 = arith.constant 1 : i32
    %parallel_loop3A_57:2 = scf.for %parallel_loop3A_198 = %parallel_loop3A to %parallel_loop3A_55 step %parallel_loop3A_56 iter_args(%parallel_loop3A_199 = %broadcast_in_dim3A_47, %parallel_loop3A_200 = %iota3A) -> (vector<16xi32>, vector<16xi32>)  : i32 {
      %parallel_loop3A_201 = arith.constant 16 : i32
      %parallel_loop3A_202 = arith.muli %parallel_loop3A_198, %parallel_loop3A_201 : i32
      %parallel_loop3A_203 = arith.index_cast %parallel_loop3A_202 : i32 to index
      %parallel_loop3A_204 = tpu.vector_load %arg8[%parallel_loop3A_203] {strides = array<i32>} : memref<16384xi32, #tpu.memory_space<vmem>>, vector<16xi32>,
      %parallel_loop3A_205 = vector.broadcast %mul3A_2 : i32 to vector<16xi32>
      %parallel_loop3A_206 = arith.subi %parallel_loop3A_204, %parallel_loop3A_205 : vector<16xi32>
      %parallel_loop3A_207 = vector.bitcast %parallel_loop3A_206 : vector<16xi32> to vector<16xi32>
      %parallel_loop3A_208 = arith.cmpi ult, %parallel_loop3A_207, %bitcast3A : vector<16xi32>
      %parallel_loop3A_209 = arith.extui %parallel_loop3A_208 : vector<16xi1> to vector<16xi32>
      %parallel_loop3A_210 = arith.constant true
      %parallel_loop3A_211 = vector.broadcast %parallel_loop3A_210 : i1 to vector<16xi1>
      %parallel_loop3A_212 = tpu.scan <sum>, %parallel_loop3A_209 masked %parallel_loop3A_211 : vector<16xi32>, vector<16xi1> -> vector<16xi32>
      %parallel_loop3A_213 = arith.addi %parallel_loop3A_199, %parallel_loop3A_212 : vector<16xi32>
      %parallel_loop3A_214 = arith.constant 14 : i32
      %parallel_loop3A_215 = vector.broadcast %parallel_loop3A_214 : i32 to vector<16xi32>
      %parallel_loop3A_216 = arith.shli %parallel_loop3A_206, %parallel_loop3A_215 : vector<16xi32>
      %parallel_loop3A_217 = arith.ori %parallel_loop3A_216, %parallel_loop3A_200 : vector<16xi32>
      tpu.vector_store_idx %arg11[%parallel_loop3A_213], %parallel_loop3A_217 masked %parallel_loop3A_208 : memref<16400xi32, #tpu.memory_space<vmem>>[vector<16xi32>], vector<16xi32>, vector<16xi1>
      %parallel_loop3A_218 = tpu.all_reduce %parallel_loop3A_208 {dim = 0 : i64, kind = #tpu.reduction_kind<sum>} : vector<16xi1> -> vector<16xi32>
      %parallel_loop3A_219 = arith.addi %parallel_loop3A_199, %parallel_loop3A_218 : vector<16xi32>
      %parallel_loop3A_220 = arith.constant 16 : i32
      %parallel_loop3A_221 = vector.broadcast %parallel_loop3A_220 : i32 to vector<16xi32>
      %parallel_loop3A_222 = arith.addi %parallel_loop3A_200, %parallel_loop3A_221 : vector<16xi32>
      scf.yield %parallel_loop3A_219, %parallel_loop3A_222 : vector<16xi32>, vector<16xi32>
    } {sc.loop_unroll_factor = 8 : i64, sc.parallel_access}
    %dma_wait3A_58 = arith.constant 4096 : i32
    %dma_wait3A_59 = tpu.memref_slice %arg8[%dma_wait3A_58] : memref<16384xi32, #tpu.memory_space<vmem>> -> memref<4096xi32, #tpu.memory_space<vmem>>
    %dma_wait3A_60 = arith.constant 4096 : i32
    %dma_wait3A_61 = tpu.memref_slice %arg6[%dma_wait3A_60] : memref<16384xi32, #tpu.memory_space<hbm>> -> memref<4096xi32, #tpu.memory_space<hbm>>
    %dma_wait3A_62 = arith.constant 4096 : i32
    %dma_wait3A_63 = tpu.memref_slice %arg8[%dma_wait3A_62] : memref<16384xi32, #tpu.memory_space<vmem>> -> memref<4096xi32, #tpu.memory_space<vmem>>
    %dma_wait3A_64 = arith.constant 4096 : i32
    %dma_wait3A_65 = tpu.memref_slice %arg6[%dma_wait3A_64] : memref<16384xi32, #tpu.memory_space<hbm>> -> memref<4096xi32, #tpu.memory_space<hbm>>
    tpu.wait_dma2 semaphore(%arg18 : memref<!tpu.dma_semaphore, #tpu.memory_space<semaphore_mem>>) src(%dma_wait3A_65 : memref<4096xi32, #tpu.memory_space<hbm>>) dst(%dma_wait3A_63 : memref<4096xi32, #tpu.memory_space<vmem>>)
    %parallel_loop3A_66 = arith.constant 256 : i32
    %parallel_loop3A_67 = arith.constant 512 : i32
    %parallel_loop3A_68 = arith.constant 1 : i32
    %parallel_loop3A_69:2 = scf.for %parallel_loop3A_198 = %parallel_loop3A_66 to %parallel_loop3A_67 step %parallel_loop3A_68 iter_args(%parallel_loop3A_199 = %parallel_loop3A_57#0, %parallel_loop3A_200 = %parallel_loop3A_57#1) -> (vector<16xi32>, vector<16xi32>)  : i32 {
      %parallel_loop3A_201 = arith.constant 16 : i32
      %parallel_loop3A_202 = arith.muli %parallel_loop3A_198, %parallel_loop3A_201 : i32
      %parallel_loop3A_203 = arith.index_cast %parallel_loop3A_202 : i32 to index
      %parallel_loop3A_204 = tpu.vector_load %arg8[%parallel_loop3A_203] {strides = array<i32>} : memref<16384xi32, #tpu.memory_space<vmem>>, vector<16xi32>,
      %parallel_loop3A_205 = vector.broadcast %mul3A_2 : i32 to vector<16xi32>
      %parallel_loop3A_206 = arith.subi %parallel_loop3A_204, %parallel_loop3A_205 : vector<16xi32>
      %parallel_loop3A_207 = vector.bitcast %parallel_loop3A_206 : vector<16xi32> to vector<16xi32>
      %parallel_loop3A_208 = arith.cmpi ult, %parallel_loop3A_207, %bitcast3A : vector<16xi32>
      %parallel_loop3A_209 = arith.extui %parallel_loop3A_208 : vector<16xi1> to vector<16xi32>
      %parallel_loop3A_210 = arith.constant true
      %parallel_loop3A_211 = vector.broadcast %parallel_loop3A_210 : i1 to vector<16xi1>
      %parallel_loop3A_212 = tpu.scan <sum>, %parallel_loop3A_209 masked %parallel_loop3A_211 : vector<16xi32>, vector<16xi1> -> vector<16xi32>
      %parallel_loop3A_213 = arith.addi %parallel_loop3A_199, %parallel_loop3A_212 : vector<16xi32>
      %parallel_loop3A_214 = arith.constant 14 : i32
      %parallel_loop3A_215 = vector.broadcast %parallel_loop3A_214 : i32 to vector<16xi32>
      %parallel_loop3A_216 = arith.shli %parallel_loop3A_206, %parallel_loop3A_215 : vector<16xi32>
      %parallel_loop3A_217 = arith.ori %parallel_loop3A_216, %parallel_loop3A_200 : vector<16xi32>
      tpu.vector_store_idx %arg11[%parallel_loop3A_213], %parallel_loop3A_217 masked %parallel_loop3A_208 : memref<16400xi32, #tpu.memory_space<vmem>>[vector<16xi32>], vector<16xi32>, vector<16xi1>
      %parallel_loop3A_218 = tpu.all_reduce %parallel_loop3A_208 {dim = 0 : i64, kind = #tpu.reduction_kind<sum>} : vector<16xi1> -> vector<16xi32>
      %parallel_loop3A_219 = arith.addi %parallel_loop3A_199, %parallel_loop3A_218 : vector<16xi32>
      %parallel_loop3A_220 = arith.constant 16 : i32
      %parallel_loop3A_221 = vector.broadcast %parallel_loop3A_220 : i32 to vector<16xi32>
      %parallel_loop3A_222 = arith.addi %parallel_loop3A_200, %parallel_loop3A_221 : vector<16xi32>
      scf.yield %parallel_loop3A_219, %parallel_loop3A_222 : vector<16xi32>, vector<16xi32>
    } {sc.loop_unroll_factor = 8 : i64, sc.parallel_access}
    %dma_wait3A_70 = arith.constant 8192 : i32
    %dma_wait3A_71 = tpu.memref_slice %arg8[%dma_wait3A_70] : memref<16384xi32, #tpu.memory_space<vmem>> -> memref<4096xi32, #tpu.memory_space<vmem>>
    %dma_wait3A_72 = arith.constant 8192 : i32
    %dma_wait3A_73 = tpu.memref_slice %arg6[%dma_wait3A_72] : memref<16384xi32, #tpu.memory_space<hbm>> -> memref<4096xi32, #tpu.memory_space<hbm>>
    %dma_wait3A_74 = arith.constant 8192 : i32
    %dma_wait3A_75 = tpu.memref_slice %arg8[%dma_wait3A_74] : memref<16384xi32, #tpu.memory_space<vmem>> -> memref<4096xi32, #tpu.memory_space<vmem>>
    %dma_wait3A_76 = arith.constant 8192 : i32
    %dma_wait3A_77 = tpu.memref_slice %arg6[%dma_wait3A_76] : memref<16384xi32, #tpu.memory_space<hbm>> -> memref<4096xi32, #tpu.memory_space<hbm>>
    tpu.wait_dma2 semaphore(%arg19 : memref<!tpu.dma_semaphore, #tpu.memory_space<semaphore_mem>>) src(%dma_wait3A_77 : memref<4096xi32, #tpu.memory_space<hbm>>) dst(%dma_wait3A_75 : memref<4096xi32, #tpu.memory_space<vmem>>)
    %parallel_loop3A_78 = arith.constant 512 : i32
    %parallel_loop3A_79 = arith.constant 768 : i32
    %parallel_loop3A_80 = arith.constant 1 : i32
    %parallel_loop3A_81:2 = scf.for %parallel_loop3A_198 = %parallel_loop3A_78 to %parallel_loop3A_79 step %parallel_loop3A_80 iter_args(%parallel_loop3A_199 = %parallel_loop3A_69#0, %parallel_loop3A_200 = %parallel_loop3A_69#1) -> (vector<16xi32>, vector<16xi32>)  : i32 {
      %parallel_loop3A_201 = arith.constant 16 : i32
      %parallel_loop3A_202 = arith.muli %parallel_loop3A_198, %parallel_loop3A_201 : i32
      %parallel_loop3A_203 = arith.index_cast %parallel_loop3A_202 : i32 to index
      %parallel_loop3A_204 = tpu.vector_load %arg8[%parallel_loop3A_203] {strides = array<i32>} : memref<16384xi32, #tpu.memory_space<vmem>>, vector<16xi32>,
      %parallel_loop3A_205 = vector.broadcast %mul3A_2 : i32 to vector<16xi32>
      %parallel_loop3A_206 = arith.subi %parallel_loop3A_204, %parallel_loop3A_205 : vector<16xi32>
      %parallel_loop3A_207 = vector.bitcast %parallel_loop3A_206 : vector<16xi32> to vector<16xi32>
      %parallel_loop3A_208 = arith.cmpi ult, %parallel_loop3A_207, %bitcast3A : vector<16xi32>
      %parallel_loop3A_209 = arith.extui %parallel_loop3A_208 : vector<16xi1> to vector<16xi32>
      %parallel_loop3A_210 = arith.constant true
      %parallel_loop3A_211 = vector.broadcast %parallel_loop3A_210 : i1 to vector<16xi1>
      %parallel_loop3A_212 = tpu.scan <sum>, %parallel_loop3A_209 masked %parallel_loop3A_211 : vector<16xi32>, vector<16xi1> -> vector<16xi32>
      %parallel_loop3A_213 = arith.addi %parallel_loop3A_199, %parallel_loop3A_212 : vector<16xi32>
      %parallel_loop3A_214 = arith.constant 14 : i32
      %parallel_loop3A_215 = vector.broadcast %parallel_loop3A_214 : i32 to vector<16xi32>
      %parallel_loop3A_216 = arith.shli %parallel_loop3A_206, %parallel_loop3A_215 : vector<16xi32>
      %parallel_loop3A_217 = arith.ori %parallel_loop3A_216, %parallel_loop3A_200 : vector<16xi32>
      tpu.vector_store_idx %arg11[%parallel_loop3A_213], %parallel_loop3A_217 masked %parallel_loop3A_208 : memref<16400xi32, #tpu.memory_space<vmem>>[vector<16xi32>], vector<16xi32>, vector<16xi1>
      %parallel_loop3A_218 = tpu.all_reduce %parallel_loop3A_208 {dim = 0 : i64, kind = #tpu.reduction_kind<sum>} : vector<16xi1> -> vector<16xi32>
      %parallel_loop3A_219 = arith.addi %parallel_loop3A_199, %parallel_loop3A_218 : vector<16xi32>
      %parallel_loop3A_220 = arith.constant 16 : i32
      %parallel_loop3A_221 = vector.broadcast %parallel_loop3A_220 : i32 to vector<16xi32>
      %parallel_loop3A_222 = arith.addi %parallel_loop3A_200, %parallel_loop3A_221 : vector<16xi32>
      scf.yield %parallel_loop3A_219, %parallel_loop3A_222 : vector<16xi32>, vector<16xi32>
    } {sc.loop_unroll_factor = 8 : i64, sc.parallel_access}
    %dma_wait3A_82 = arith.constant 12288 : i32
    %dma_wait3A_83 = tpu.memref_slice %arg8[%dma_wait3A_82] : memref<16384xi32, #tpu.memory_space<vmem>> -> memref<4096xi32, #tpu.memory_space<vmem>>
    %dma_wait3A_84 = arith.constant 12288 : i32
    %dma_wait3A_85 = tpu.memref_slice %arg6[%dma_wait3A_84] : memref<16384xi32, #tpu.memory_space<hbm>> -> memref<4096xi32, #tpu.memory_space<hbm>>
    %dma_wait3A_86 = arith.constant 12288 : i32
    %dma_wait3A_87 = tpu.memref_slice %arg8[%dma_wait3A_86] : memref<16384xi32, #tpu.memory_space<vmem>> -> memref<4096xi32, #tpu.memory_space<vmem>>
    %dma_wait3A_88 = arith.constant 12288 : i32
    %dma_wait3A_89 = tpu.memref_slice %arg6[%dma_wait3A_88] : memref<16384xi32, #tpu.memory_space<hbm>> -> memref<4096xi32, #tpu.memory_space<hbm>>
    tpu.wait_dma2 semaphore(%arg20 : memref<!tpu.dma_semaphore, #tpu.memory_space<semaphore_mem>>) src(%dma_wait3A_89 : memref<4096xi32, #tpu.memory_space<hbm>>) dst(%dma_wait3A_87 : memref<4096xi32, #tpu.memory_space<vmem>>)
    %parallel_loop3A_90 = arith.constant 768 : i32
    %parallel_loop3A_91 = arith.constant 1024 : i32
    %parallel_loop3A_92 = arith.constant 1 : i32
    %parallel_loop3A_93:2 = scf.for %parallel_loop3A_198 = %parallel_loop3A_90 to %parallel_loop3A_91 step %parallel_loop3A_92 iter_args(%parallel_loop3A_199 = %parallel_loop3A_81#0, %parallel_loop3A_200 = %parallel_loop3A_81#1) -> (vector<16xi32>, vector<16xi32>)  : i32 {
      %parallel_loop3A_201 = arith.constant 16 : i32
      %parallel_loop3A_202 = arith.muli %parallel_loop3A_198, %parallel_loop3A_201 : i32
      %parallel_loop3A_203 = arith.index_cast %parallel_loop3A_202 : i32 to index
      %parallel_loop3A_204 = tpu.vector_load %arg8[%parallel_loop3A_203] {strides = array<i32>} : memref<16384xi32, #tpu.memory_space<vmem>>, vector<16xi32>,
      %parallel_loop3A_205 = vector.broadcast %mul3A_2 : i32 to vector<16xi32>
      %parallel_loop3A_206 = arith.subi %parallel_loop3A_204, %parallel_loop3A_205 : vector<16xi32>
      %parallel_loop3A_207 = vector.bitcast %parallel_loop3A_206 : vector<16xi32> to vector<16xi32>
      %parallel_loop3A_208 = arith.cmpi ult, %parallel_loop3A_207, %bitcast3A : vector<16xi32>
      %parallel_loop3A_209 = arith.extui %parallel_loop3A_208 : vector<16xi1> to vector<16xi32>
      %parallel_loop3A_210 = arith.constant true
      %parallel_loop3A_211 = vector.broadcast %parallel_loop3A_210 : i1 to vector<16xi1>
      %parallel_loop3A_212 = tpu.scan <sum>, %parallel_loop3A_209 masked %parallel_loop3A_211 : vector<16xi32>, vector<16xi1> -> vector<16xi32>
      %parallel_loop3A_213 = arith.addi %parallel_loop3A_199, %parallel_loop3A_212 : vector<16xi32>
      %parallel_loop3A_214 = arith.constant 14 : i32
      %parallel_loop3A_215 = vector.broadcast %parallel_loop3A_214 : i32 to vector<16xi32>
      %parallel_loop3A_216 = arith.shli %parallel_loop3A_206, %parallel_loop3A_215 : vector<16xi32>
      %parallel_loop3A_217 = arith.ori %parallel_loop3A_216, %parallel_loop3A_200 : vector<16xi32>
      tpu.vector_store_idx %arg11[%parallel_loop3A_213], %parallel_loop3A_217 masked %parallel_loop3A_208 : memref<16400xi32, #tpu.memory_space<vmem>>[vector<16xi32>], vector<16xi32>, vector<16xi1>
      %parallel_loop3A_218 = tpu.all_reduce %parallel_loop3A_208 {dim = 0 : i64, kind = #tpu.reduction_kind<sum>} : vector<16xi1> -> vector<16xi32>
      %parallel_loop3A_219 = arith.addi %parallel_loop3A_199, %parallel_loop3A_218 : vector<16xi32>
      %parallel_loop3A_220 = arith.constant 16 : i32
      %parallel_loop3A_221 = vector.broadcast %parallel_loop3A_220 : i32 to vector<16xi32>
      %parallel_loop3A_222 = arith.addi %parallel_loop3A_200, %parallel_loop3A_221 : vector<16xi32>
      scf.yield %parallel_loop3A_219, %parallel_loop3A_222 : vector<16xi32>, vector<16xi32>
    } {sc.loop_unroll_factor = 8 : i64, sc.parallel_access}
    %reduce_max3A = arith.constant true
    %reduce_max3A_94 = vector.broadcast %reduce_max3A : i1 to vector<16xi1>
    %reduce_max3A_95 = arith.constant -2147483648 : i32
    %reduce_max3A_96 = vector.broadcast %reduce_max3A_95 : i32 to vector<16xi32>
    %reduce_max3A_97 = arith.xori %parallel_loop3A_93#0, %reduce_max3A_96 : vector<16xi32>
    %reduce_max3A_98 = tpu.scan <max>, %reduce_max3A_97 masked %reduce_max3A_94 : vector<16xi32>, vector<16xi1> -> vector<16xi32>
    %reduce_max3A_99 = arith.xori %reduce_max3A_98, %reduce_max3A_96 : vector<16xi32>
    %reduce_max3A_100 = vector.extract %reduce_max3A_99[15] : i32 from vector<16xi32>
    %add3A_101 = arith.constant 1 : i32
    %add3A_102 = arith.addi %reduce_max3A_100, %add3A_101 : i32
    %add3A_103 = vector.broadcast %add3A_102 : i32 to vector<16xi32>
    %add3A_104 = arith.addi %add3A_103, %iota3A : vector<16xi32>
    %broadcast_in_dim3A_105 = arith.constant 2147483647 : i32
    %broadcast_in_dim3A_106 = vector.broadcast %broadcast_in_dim3A_105 : i32 to vector<16xi32>
    tpu.vector_store_idx %arg11[%add3A_104], %broadcast_in_dim3A_106 : memref<16400xi32, #tpu.memory_space<vmem>>[vector<16xi32>], vector<16xi32>,
    %add3A_107 = arith.constant 16 : i32
    %add3A_108 = arith.addi %add3A_102, %add3A_107 : i32
    %sub3A = arith.constant 1 : i32
    %sub3A_109 = arith.subi %add3A_108, %sub3A : i32
    %jit3A_110 = arith.constant 16 : i32
    %div3A = arith.divsi %sub3A_109, %jit3A_110 : i32
    %sign3A = arith.constant 0 : i32
    %sign3A_111 = arith.cmpi sgt, %sub3A_109, %sign3A : i32
    %sign3A_112 = arith.extui %sign3A_111 : i1 to i32
    %sign3A_113 = arith.constant 0 : i32
    %sign3A_114 = arith.cmpi slt, %sub3A_109, %sign3A_113 : i32
    %sign3A_115 = arith.extui %sign3A_114 : i1 to i32
    %sign3A_116 = arith.subi %sign3A_112, %sign3A_115 : i32
    %sign3A_117 = arith.constant 0 : i32
    %sign3A_118 = arith.cmpi sgt, %jit3A_110, %sign3A_117 : i32
    %sign3A_119 = arith.extui %sign3A_118 : i1 to i32
    %sign3A_120 = arith.constant 0 : i32
    %sign3A_121 = arith.cmpi slt, %jit3A_110, %sign3A_120 : i32
    %sign3A_122 = arith.extui %sign3A_121 : i1 to i32
    %sign3A_123 = arith.subi %sign3A_119, %sign3A_122 : i32
    %ne3A = arith.cmpi ne, %sign3A_116, %sign3A_123 : i32
    %rem3A = arith.remsi %sub3A_109, %jit3A_110 : i32
    %ne3A_124 = arith.constant 0 : i32
    %ne3A_125 = arith.cmpi ne, %rem3A, %ne3A_124 : i32
    %and3A = arith.andi %ne3A, %ne3A_125 : i1
    %sub3A_126 = arith.constant 1 : i32
    %sub3A_127 = arith.subi %div3A, %sub3A_126 : i32
    %select_n3A_128 = arith.select %and3A, %sub3A_127, %div3A : i32
    %while3A = arith.constant 0 : i32
    %while3A_129 = arith.constant 0 : i32
    %while3A_130 = arith.subi %select_n3A_128, %while3A : i32
    %while3A_131 = arith.addi %while3A, %while3A_130 : i32
    %while3A_132 = arith.constant 1 : i32
    %while3A_133 = arith.divsi %while3A_130, %while3A_132 : i32
    %while3A_134 = arith.muli %while3A_133, %while3A_132 : i32
    %while3A_135 = arith.addi %while3A, %while3A_134 : i32
    %while3A_136 = arith.constant 1 : i32
    %while3A_137 = scf.for %while3A_198 = %while3A to %while3A_135 step %while3A_136 iter_args(%while3A_199 = %while3A_129) -> (i32)  : i32 {
      %mul3A_200 = arith.constant 16 : i32
      %mul3A_201 = arith.muli %while3A_198, %mul3A_200 : i32
      %get3A = arith.index_cast %mul3A_201 : i32 to index
      %get3A_202 = tpu.vector_load %arg11[%get3A] {strides = array<i32>} : memref<16400xi32, #tpu.memory_space<vmem>>, vector<16xi32>,
      %sort3A = arith.constant dense<true> : vector<16xi1>
      %sort3A_203, %sort3A_204, %sort3A_205 = tpu.sort %get3A_202, %get3A_202 masked %sort3A : (vector<16xi32>, vector<16xi32>, vector<16xi1>) -> (vector<16xi1>, vector<16xi32>, vector<16xi32>)
      %swap3A = arith.constant 0 : index
      %swap3A_206 = tpu.vector_load %arg16[%swap3A] {strides = array<i32>} : memref<16xi32, #tpu.memory_space<vmem>>, vector<16xi32>,
      tpu.vector_store %arg16[%swap3A], %sort3A_204 {strides = array<i32>} : memref<16xi32, #tpu.memory_space<vmem>>, vector<16xi32>,
      %add3A_207 = arith.constant 1 : i32
      %add3A_208 = vector.broadcast %add3A_207 : i32 to vector<16xi32>
      %add3A_209 = arith.addi %iota3A, %add3A_208 : vector<16xi32>
      %min3A = arith.constant 15 : i32
      %min3A_210 = vector.broadcast %min3A : i32 to vector<16xi32>
      %min3A_211 = arith.minsi %add3A_209, %min3A_210 : vector<16xi32>
      %gather3A = tpu.vector_load_idx %arg16[%min3A_211] : memref<16xi32, #tpu.memory_space<vmem>>[vector<16xi32>], vector<16xi32>,
      %shift_right_logical3A = arith.constant 14 : i32
      %shift_right_logical3A_212 = vector.broadcast %shift_right_logical3A : i32 to vector<16xi32>
      %shift_right_logical3A_213 = arith.shrui %sort3A_204, %shift_right_logical3A_212 : vector<16xi32>
      %shift_right_logical3A_214 = arith.constant 14 : i32
      %shift_right_logical3A_215 = vector.broadcast %shift_right_logical3A_214 : i32 to vector<16xi32>
      %shift_right_logical3A_216 = arith.shrui %gather3A, %shift_right_logical3A_215 : vector<16xi32>
      %ne3A_217 = arith.cmpi ne, %shift_right_logical3A_213, %shift_right_logical3A_216 : vector<16xi32>
      %eq3A_218 = arith.constant 15 : i32
      %eq3A_219 = vector.broadcast %eq3A_218 : i32 to vector<16xi32>
      %eq3A_220 = arith.cmpi eq, %iota3A, %eq3A_219 : vector<16xi32>
      %or3A = arith.ori %ne3A_217, %eq3A_220 : vector<16xi1>
      %lt3A_221 = vector.broadcast %select_n3A : i32 to vector<16xi32>
      %lt3A_222 = arith.cmpi slt, %shift_right_logical3A_213, %lt3A_221 : vector<16xi32>
      %and3A_223 = arith.andi %or3A, %lt3A_222 : vector<16xi1>
      %and3A_224 = arith.constant 16383 : i32
      %and3A_225 = vector.broadcast %and3A_224 : i32 to vector<16xi32>
      %and3A_226 = arith.andi %sort3A_204, %and3A_225 : vector<16xi32>
      tpu.vector_store_idx %arg12[%shift_right_logical3A_213], %and3A_226 masked %and3A_223 : memref<3128xi32, #tpu.memory_space<vmem>>[vector<16xi32>], vector<16xi32>, vector<16xi1>
      %while3A_227 = arith.constant 0 : i32
      scf.yield %while3A_227 : i32
    }
    %while3A_138 = arith.constant 1 : i32
    %while3A_139 = scf.for %while3A_198 = %while3A_135 to %while3A_131 step %while3A_138 iter_args(%while3A_199 = %while3A_137) -> (i32)  : i32 {
      %mul3A_200 = arith.constant 16 : i32
      %mul3A_201 = arith.muli %while3A_198, %mul3A_200 : i32
      %get3A = arith.index_cast %mul3A_201 : i32 to index
      %get3A_202 = tpu.vector_load %arg11[%get3A] {strides = array<i32>} : memref<16400xi32, #tpu.memory_space<vmem>>, vector<16xi32>,
      %sort3A = arith.constant dense<true> : vector<16xi1>
      %sort3A_203, %sort3A_204, %sort3A_205 = tpu.sort %get3A_202, %get3A_202 masked %sort3A : (vector<16xi32>, vector<16xi32>, vector<16xi1>) -> (vector<16xi1>, vector<16xi32>, vector<16xi32>)
      %swap3A = arith.constant 0 : index
      %swap3A_206 = tpu.vector_load %arg16[%swap3A] {strides = array<i32>} : memref<16xi32, #tpu.memory_space<vmem>>, vector<16xi32>,
      tpu.vector_store %arg16[%swap3A], %sort3A_204 {strides = array<i32>} : memref<16xi32, #tpu.memory_space<vmem>>, vector<16xi32>,
      %add3A_207 = arith.constant 1 : i32
      %add3A_208 = vector.broadcast %add3A_207 : i32 to vector<16xi32>
      %add3A_209 = arith.addi %iota3A, %add3A_208 : vector<16xi32>
      %min3A = arith.constant 15 : i32
      %min3A_210 = vector.broadcast %min3A : i32 to vector<16xi32>
      %min3A_211 = arith.minsi %add3A_209, %min3A_210 : vector<16xi32>
      %gather3A = tpu.vector_load_idx %arg16[%min3A_211] : memref<16xi32, #tpu.memory_space<vmem>>[vector<16xi32>], vector<16xi32>,
      %shift_right_logical3A = arith.constant 14 : i32
      %shift_right_logical3A_212 = vector.broadcast %shift_right_logical3A : i32 to vector<16xi32>
      %shift_right_logical3A_213 = arith.shrui %sort3A_204, %shift_right_logical3A_212 : vector<16xi32>
      %shift_right_logical3A_214 = arith.constant 14 : i32
      %shift_right_logical3A_215 = vector.broadcast %shift_right_logical3A_214 : i32 to vector<16xi32>
      %shift_right_logical3A_216 = arith.shrui %gather3A, %shift_right_logical3A_215 : vector<16xi32>
      %ne3A_217 = arith.cmpi ne, %shift_right_logical3A_213, %shift_right_logical3A_216 : vector<16xi32>
      %eq3A_218 = arith.constant 15 : i32
      %eq3A_219 = vector.broadcast %eq3A_218 : i32 to vector<16xi32>
      %eq3A_220 = arith.cmpi eq, %iota3A, %eq3A_219 : vector<16xi32>
      %or3A = arith.ori %ne3A_217, %eq3A_220 : vector<16xi1>
      %lt3A_221 = vector.broadcast %select_n3A : i32 to vector<16xi32>
      %lt3A_222 = arith.cmpi slt, %shift_right_logical3A_213, %lt3A_221 : vector<16xi32>
      %and3A_223 = arith.andi %or3A, %lt3A_222 : vector<16xi1>
      %and3A_224 = arith.constant 16383 : i32
      %and3A_225 = vector.broadcast %and3A_224 : i32 to vector<16xi32>
      %and3A_226 = arith.andi %sort3A_204, %and3A_225 : vector<16xi32>
      tpu.vector_store_idx %arg12[%shift_right_logical3A_213], %and3A_226 masked %and3A_223 : memref<3128xi32, #tpu.memory_space<vmem>>[vector<16xi32>], vector<16xi32>, vector<16xi1>
      %while3A_227 = arith.constant 0 : i32
      scf.yield %while3A_227 : i32
    }
    tpu.wait_dma2 semaphore(%arg21 : memref<!tpu.dma_semaphore, #tpu.memory_space<semaphore_mem>>) src(%arg5 : memref<16384xf32, #tpu.memory_space<hbm>>) dst(%arg9 : memref<16384xf32, #tpu.memory_space<vmem>>)
    %lt3A_140 = arith.constant 31 : i32
    %lt3A_141 = arith.cmpi slt, %add3A, %lt3A_140 : i32
    %convert_element_type3A_142 = arith.extui %lt3A_141 : i1 to i32
    %cond3A_143 = arith.constant 0 : i32
    %cond3A_144 = arith.cmpi ne, %convert_element_type3A_142, %cond3A_143 : i32
    scf.if %cond3A_144 {
      %dma_wait3A_198 = arith.constant 0 : i32
      %dma_wait3A_199 = tpu.memref_slice %arg10[%dma_wait3A_198] : memref<3128xf32, #tpu.memory_space<vmem>> -> memref<3128xf32, #tpu.memory_space<vmem>>
      %dma_wait3A_200 = tpu.memref_slice %arg3[%mul3A_2] : memref<100000xf32, #tpu.memory_space<hbm>> -> memref<3128xf32, #tpu.memory_space<hbm>>
      %dma_wait3A_201 = arith.constant 0 : i32
      %dma_wait3A_202 = tpu.memref_slice %arg10[%dma_wait3A_201] : memref<3128xf32, #tpu.memory_space<vmem>> -> memref<3128xf32, #tpu.memory_space<vmem>>
      %dma_wait3A_203 = tpu.memref_slice %arg3[%mul3A_2] : memref<100000xf32, #tpu.memory_space<hbm>> -> memref<3128xf32, #tpu.memory_space<hbm>>
      tpu.wait_dma2 semaphore(%arg22 : memref<!tpu.dma_semaphore, #tpu.memory_space<semaphore_mem>>) src(%dma_wait3A_203 : memref<3128xf32, #tpu.memory_space<hbm>>) dst(%dma_wait3A_202 : memref<3128xf32, #tpu.memory_space<vmem>>)
    } else {
    }
    %eq3A_145 = arith.constant 31 : i32
    %eq3A_146 = arith.cmpi eq, %add3A, %eq3A_145 : i32
    %convert_element_type3A_147 = arith.extui %eq3A_146 : i1 to i32
    %cond3A_148 = arith.constant 0 : i32
    %cond3A_149 = arith.cmpi ne, %convert_element_type3A_147, %cond3A_148 : i32
    scf.if %cond3A_149 {
      %dma_wait3A_198 = arith.constant 0 : i32
      %dma_wait3A_199 = tpu.memref_slice %arg10[%dma_wait3A_198] : memref<3128xf32, #tpu.memory_space<vmem>> -> memref<3032xf32, #tpu.memory_space<vmem>>
      %dma_wait3A_200 = arith.constant 96968 : i32
      %dma_wait3A_201 = tpu.memref_slice %arg3[%dma_wait3A_200] : memref<100000xf32, #tpu.memory_space<hbm>> -> memref<3032xf32, #tpu.memory_space<hbm>>
      %dma_wait3A_202 = arith.constant 0 : i32
      %dma_wait3A_203 = tpu.memref_slice %arg10[%dma_wait3A_202] : memref<3128xf32, #tpu.memory_space<vmem>> -> memref<3032xf32, #tpu.memory_space<vmem>>
      %dma_wait3A_204 = arith.constant 96968 : i32
      %dma_wait3A_205 = tpu.memref_slice %arg3[%dma_wait3A_204] : memref<100000xf32, #tpu.memory_space<hbm>> -> memref<3032xf32, #tpu.memory_space<hbm>>
      tpu.wait_dma2 semaphore(%arg22 : memref<!tpu.dma_semaphore, #tpu.memory_space<semaphore_mem>>) src(%dma_wait3A_205 : memref<3032xf32, #tpu.memory_space<hbm>>) dst(%dma_wait3A_203 : memref<3032xf32, #tpu.memory_space<vmem>>)
    } else {
    }
    %parallel_loop3A_150 = arith.constant 0 : i32
    %parallel_loop3A_151 = arith.constant 1 : i32
    %parallel_loop3A_152 = arith.constant 0 : i32
    %parallel_loop3A_153 = scf.for %parallel_loop3A_198 = %parallel_loop3A_150 to %select_n3A_128 step %parallel_loop3A_151 iter_args(%parallel_loop3A_199 = %parallel_loop3A_152) -> (i32)  : i32 {
      %parallel_loop3A_200 = arith.constant 16 : i32
      %parallel_loop3A_201 = arith.muli %parallel_loop3A_198, %parallel_loop3A_200 : i32
      %parallel_loop3A_202 = arith.index_cast %parallel_loop3A_201 : i32 to index
      %parallel_loop3A_203 = tpu.vector_load %arg11[%parallel_loop3A_202] {strides = array<i32>} : memref<16400xi32, #tpu.memory_space<vmem>>, vector<16xi32>,
      %parallel_loop3A_204 = arith.constant 14 : i32
      %parallel_loop3A_205 = vector.broadcast %parallel_loop3A_204 : i32 to vector<16xi32>
      %parallel_loop3A_206 = arith.shrui %parallel_loop3A_203, %parallel_loop3A_205 : vector<16xi32>
      %parallel_loop3A_207 = arith.constant 16383 : i32
      %parallel_loop3A_208 = vector.broadcast %parallel_loop3A_207 : i32 to vector<16xi32>
      %parallel_loop3A_209 = arith.andi %parallel_loop3A_203, %parallel_loop3A_208 : vector<16xi32>
      %parallel_loop3A_210 = vector.broadcast %select_n3A : i32 to vector<16xi32>
      %parallel_loop3A_211 = arith.cmpi slt, %parallel_loop3A_206, %parallel_loop3A_210 : vector<16xi32>
      %parallel_loop3A_212 = arith.constant 1 : i32
      %parallel_loop3A_213 = arith.subi %select_n3A, %parallel_loop3A_212 : i32
      %parallel_loop3A_214 = vector.broadcast %parallel_loop3A_213 : i32 to vector<16xi32>
      %parallel_loop3A_215 = arith.minsi %parallel_loop3A_206, %parallel_loop3A_214 : vector<16xi32>
      %parallel_loop3A_216 = tpu.vector_load_idx %arg12[%parallel_loop3A_215] masked %parallel_loop3A_211 : memref<3128xi32, #tpu.memory_space<vmem>>[vector<16xi32>], vector<16xi32>, vector<16xi1>
      %parallel_loop3A_217 = tpu.vector_load_idx %arg9[%parallel_loop3A_209] : memref<16384xf32, #tpu.memory_space<vmem>>[vector<16xi32>], vector<16xf32>,
      %parallel_loop3A_218 = tpu.vector_load_idx %arg10[%parallel_loop3A_215] masked %parallel_loop3A_211 : memref<3128xf32, #tpu.memory_space<vmem>>[vector<16xi32>], vector<16xf32>, vector<16xi1>
      %parallel_loop3A_219 = arith.cmpi eq, %parallel_loop3A_216, %parallel_loop3A_209 : vector<16xi32>
      %parallel_loop3A_220 = arith.andi %parallel_loop3A_211, %parallel_loop3A_219 : vector<16xi1>
      %parallel_loop3A_221 = arith.constant 8.500000e-01 : f32
      %parallel_loop3A_222 = vector.broadcast %parallel_loop3A_221 : f32 to vector<16xf32>
      %parallel_loop3A_223 = arith.cmpf ogt, %parallel_loop3A_217, %parallel_loop3A_222 : vector<16xf32>
      %parallel_loop3A_224 = arith.andi %parallel_loop3A_220, %parallel_loop3A_223 : vector<16xi1>
      %parallel_loop3A_225 = arith.cmpf ogt, %parallel_loop3A_217, %parallel_loop3A_218 : vector<16xf32>
      %parallel_loop3A_226 = arith.andi %parallel_loop3A_224, %parallel_loop3A_225 : vector<16xi1>
      %parallel_loop3A_227 = arith.extui %parallel_loop3A_226 : vector<16xi1> to vector<16xi32>
      %parallel_loop3A_228 = arith.constant true
      %parallel_loop3A_229 = vector.broadcast %parallel_loop3A_228 : i1 to vector<16xi1>
      %parallel_loop3A_230 = tpu.scan <sum>, %parallel_loop3A_227 masked %parallel_loop3A_229 : vector<16xi32>, vector<16xi1> -> vector<16xi32>
      %parallel_loop3A_231 = vector.broadcast %parallel_loop3A_199 : i32 to vector<16xi32>
      %parallel_loop3A_232 = arith.addi %parallel_loop3A_231, %parallel_loop3A_230 : vector<16xi32>
      %parallel_loop3A_233 = arith.constant 1 : i32
      %parallel_loop3A_234 = vector.broadcast %parallel_loop3A_233 : i32 to vector<16xi32>
      %parallel_loop3A_235 = arith.subi %parallel_loop3A_232, %parallel_loop3A_234 : vector<16xi32>
      %parallel_loop3A_236 = arith.constant 7 : i32
      %parallel_loop3A_237 = vector.broadcast %parallel_loop3A_236 : i32 to vector<16xi32>
      %parallel_loop3A_238 = arith.shrui %parallel_loop3A_235, %parallel_loop3A_237 : vector<16xi32>
      %parallel_loop3A_239 = arith.constant 127 : i32
      %parallel_loop3A_240 = vector.broadcast %parallel_loop3A_239 : i32 to vector<16xi32>
      %parallel_loop3A_241 = arith.andi %parallel_loop3A_235, %parallel_loop3A_240 : vector<16xi32>
      tpu.vector_store_idx %arg13[%parallel_loop3A_238, %parallel_loop3A_241], %parallel_loop3A_209 masked %parallel_loop3A_226 : memref<26x128xi32, #tpu.memory_space<vmem>>[vector<16xi32>, vector<16xi32>], vector<16xi32>, vector<16xi1>
      %parallel_loop3A_242 = vector.broadcast %mul3A_2 : i32 to vector<16xi32>
      %parallel_loop3A_243 = arith.addi %parallel_loop3A_206, %parallel_loop3A_242 : vector<16xi32>
      tpu.vector_store_idx %arg14[%parallel_loop3A_238, %parallel_loop3A_241], %parallel_loop3A_243 masked %parallel_loop3A_226 : memref<26x128xi32, #tpu.memory_space<vmem>>[vector<16xi32>, vector<16xi32>], vector<16xi32>, vector<16xi1>
      %parallel_loop3A_244 = arith.extui %parallel_loop3A_226 : vector<16xi1> to vector<16xi32>
      %parallel_loop3A_245 = arith.constant true
      %parallel_loop3A_246 = vector.broadcast %parallel_loop3A_245 : i1 to vector<16xi1>
      %parallel_loop3A_247 = tpu.scan <sum>, %parallel_loop3A_244 masked %parallel_loop3A_246 : vector<16xi32>, vector<16xi1> -> vector<16xi32>
      %parallel_loop3A_248 = vector.extract %parallel_loop3A_247[15] : i32 from vector<16xi32>
      %parallel_loop3A_249 = arith.addi %parallel_loop3A_199, %parallel_loop3A_248 : i32
      scf.yield %parallel_loop3A_249 : i32
    } {sc.loop_unroll_factor = 4 : i64, sc.parallel_access}
    %gt3A = arith.constant 0 : i32
    %gt3A_154 = arith.cmpi sgt, %parallel_loop3A_153, %gt3A : i32
    %convert_element_type3A_155 = arith.extui %gt3A_154 : i1 to i32
    %cond3A_156 = arith.constant 0 : i32
    %cond3A_157 = arith.cmpi ne, %convert_element_type3A_155, %cond3A_156 : i32
    scf.if %cond3A_157 {
      %broadcast_in_dim3A_198 = arith.constant 0 : i32
      %broadcast_in_dim3A_199 = vector.broadcast %broadcast_in_dim3A_198 : i32 to vector<16xi32>
      %gather3A = tpu.vector_load_idx %arg13[%broadcast_in_dim3A_199, %broadcast_in_dim3A_199] : memref<26x128xi32, #tpu.memory_space<vmem>>[vector<16xi32>, vector<16xi32>], vector<16xi32>,
      %gather3A_200 = tpu.vector_load_idx %arg14[%broadcast_in_dim3A_199, %broadcast_in_dim3A_199] : memref<26x128xi32, #tpu.memory_space<vmem>>[vector<16xi32>, vector<16xi32>], vector<16xi32>,
      %add3A_201 = vector.broadcast %parallel_loop3A_153 : i32 to vector<16xi32>
      %add3A_202 = arith.addi %add3A_201, %iota3A : vector<16xi32>
      %add3A_203 = arith.constant 0 : i32
      %add3A_204 = vector.broadcast %add3A_203 : i32 to vector<16xi32>
      %add3A_205 = arith.addi %add3A_202, %add3A_204 : vector<16xi32>
      %shift_right_logical3A = arith.constant 7 : i32
      %shift_right_logical3A_206 = vector.broadcast %shift_right_logical3A : i32 to vector<16xi32>
      %shift_right_logical3A_207 = arith.shrui %add3A_205, %shift_right_logical3A_206 : vector<16xi32>
      %and3A_208 = arith.constant 127 : i32
      %and3A_209 = vector.broadcast %and3A_208 : i32 to vector<16xi32>
      %and3A_210 = arith.andi %add3A_205, %and3A_209 : vector<16xi32>
      tpu.vector_store_idx %arg13[%shift_right_logical3A_207, %and3A_210], %gather3A : memref<26x128xi32, #tpu.memory_space<vmem>>[vector<16xi32>, vector<16xi32>], vector<16xi32>,
      %and3A_211 = arith.constant 127 : i32
      %and3A_212 = vector.broadcast %and3A_211 : i32 to vector<16xi32>
      %and3A_213 = arith.andi %add3A_205, %and3A_212 : vector<16xi32>
      tpu.vector_store_idx %arg14[%shift_right_logical3A_207, %and3A_213], %gather3A_200 : memref<26x128xi32, #tpu.memory_space<vmem>>[vector<16xi32>, vector<16xi32>], vector<16xi32>,
      %add3A_214 = vector.broadcast %parallel_loop3A_153 : i32 to vector<16xi32>
      %add3A_215 = arith.addi %add3A_214, %iota3A : vector<16xi32>
      %add3A_216 = arith.constant 16 : i32
      %add3A_217 = vector.broadcast %add3A_216 : i32 to vector<16xi32>
      %add3A_218 = arith.addi %add3A_215, %add3A_217 : vector<16xi32>
      %shift_right_logical3A_219 = arith.constant 7 : i32
      %shift_right_logical3A_220 = vector.broadcast %shift_right_logical3A_219 : i32 to vector<16xi32>
      %shift_right_logical3A_221 = arith.shrui %add3A_218, %shift_right_logical3A_220 : vector<16xi32>
      %and3A_222 = arith.constant 127 : i32
      %and3A_223 = vector.broadcast %and3A_222 : i32 to vector<16xi32>
      %and3A_224 = arith.andi %add3A_218, %and3A_223 : vector<16xi32>
      tpu.vector_store_idx %arg13[%shift_right_logical3A_221, %and3A_224], %gather3A : memref<26x128xi32, #tpu.memory_space<vmem>>[vector<16xi32>, vector<16xi32>], vector<16xi32>,
      %and3A_225 = arith.constant 127 : i32
      %and3A_226 = vector.broadcast %and3A_225 : i32 to vector<16xi32>
      %and3A_227 = arith.andi %add3A_218, %and3A_226 : vector<16xi32>
      tpu.vector_store_idx %arg14[%shift_right_logical3A_221, %and3A_227], %gather3A_200 : memref<26x128xi32, #tpu.memory_space<vmem>>[vector<16xi32>, vector<16xi32>], vector<16xi32>,
      %add3A_228 = vector.broadcast %parallel_loop3A_153 : i32 to vector<16xi32>
      %add3A_229 = arith.addi %add3A_228, %iota3A : vector<16xi32>
      %add3A_230 = arith.constant 32 : i32
      %add3A_231 = vector.broadcast %add3A_230 : i32 to vector<16xi32>
      %add3A_232 = arith.addi %add3A_229, %add3A_231 : vector<16xi32>
      %shift_right_logical3A_233 = arith.constant 7 : i32
      %shift_right_logical3A_234 = vector.broadcast %shift_right_logical3A_233 : i32 to vector<16xi32>
      %shift_right_logical3A_235 = arith.shrui %add3A_232, %shift_right_logical3A_234 : vector<16xi32>
      %and3A_236 = arith.constant 127 : i32
      %and3A_237 = vector.broadcast %and3A_236 : i32 to vector<16xi32>
      %and3A_238 = arith.andi %add3A_232, %and3A_237 : vector<16xi32>
      tpu.vector_store_idx %arg13[%shift_right_logical3A_235, %and3A_238], %gather3A : memref<26x128xi32, #tpu.memory_space<vmem>>[vector<16xi32>, vector<16xi32>], vector<16xi32>,
      %and3A_239 = arith.constant 127 : i32
      %and3A_240 = vector.broadcast %and3A_239 : i32 to vector<16xi32>
      %and3A_241 = arith.andi %add3A_232, %and3A_240 : vector<16xi32>
      tpu.vector_store_idx %arg14[%shift_right_logical3A_235, %and3A_241], %gather3A_200 : memref<26x128xi32, #tpu.memory_space<vmem>>[vector<16xi32>, vector<16xi32>], vector<16xi32>,
      %add3A_242 = vector.broadcast %parallel_loop3A_153 : i32 to vector<16xi32>
      %add3A_243 = arith.addi %add3A_242, %iota3A : vector<16xi32>
      %add3A_244 = arith.constant 48 : i32
      %add3A_245 = vector.broadcast %add3A_244 : i32 to vector<16xi32>
      %add3A_246 = arith.addi %add3A_243, %add3A_245 : vector<16xi32>
      %shift_right_logical3A_247 = arith.constant 7 : i32
      %shift_right_logical3A_248 = vector.broadcast %shift_right_logical3A_247 : i32 to vector<16xi32>
      %shift_right_logical3A_249 = arith.shrui %add3A_246, %shift_right_logical3A_248 : vector<16xi32>
      %and3A_250 = arith.constant 127 : i32
      %and3A_251 = vector.broadcast %and3A_250 : i32 to vector<16xi32>
      %and3A_252 = arith.andi %add3A_246, %and3A_251 : vector<16xi32>
      tpu.vector_store_idx %arg13[%shift_right_logical3A_249, %and3A_252], %gather3A : memref<26x128xi32, #tpu.memory_space<vmem>>[vector<16xi32>, vector<16xi32>], vector<16xi32>,
      %and3A_253 = arith.constant 127 : i32
      %and3A_254 = vector.broadcast %and3A_253 : i32 to vector<16xi32>
      %and3A_255 = arith.andi %add3A_246, %and3A_254 : vector<16xi32>
      tpu.vector_store_idx %arg14[%shift_right_logical3A_249, %and3A_255], %gather3A_200 : memref<26x128xi32, #tpu.memory_space<vmem>>[vector<16xi32>, vector<16xi32>], vector<16xi32>,
      %add3A_256 = vector.broadcast %parallel_loop3A_153 : i32 to vector<16xi32>
      %add3A_257 = arith.addi %add3A_256, %iota3A : vector<16xi32>
      %add3A_258 = arith.constant 64 : i32
      %add3A_259 = vector.broadcast %add3A_258 : i32 to vector<16xi32>
      %add3A_260 = arith.addi %add3A_257, %add3A_259 : vector<16xi32>
      %shift_right_logical3A_261 = arith.constant 7 : i32
      %shift_right_logical3A_262 = vector.broadcast %shift_right_logical3A_261 : i32 to vector<16xi32>
      %shift_right_logical3A_263 = arith.shrui %add3A_260, %shift_right_logical3A_262 : vector<16xi32>
      %and3A_264 = arith.constant 127 : i32
      %and3A_265 = vector.broadcast %and3A_264 : i32 to vector<16xi32>
      %and3A_266 = arith.andi %add3A_260, %and3A_265 : vector<16xi32>
      tpu.vector_store_idx %arg13[%shift_right_logical3A_263, %and3A_266], %gather3A : memref<26x128xi32, #tpu.memory_space<vmem>>[vector<16xi32>, vector<16xi32>], vector<16xi32>,
      %and3A_267 = arith.constant 127 : i32
      %and3A_268 = vector.broadcast %and3A_267 : i32 to vector<16xi32>
      %and3A_269 = arith.andi %add3A_260, %and3A_268 : vector<16xi32>
      tpu.vector_store_idx %arg14[%shift_right_logical3A_263, %and3A_269], %gather3A_200 : memref<26x128xi32, #tpu.memory_space<vmem>>[vector<16xi32>, vector<16xi32>], vector<16xi32>,
      %add3A_270 = vector.broadcast %parallel_loop3A_153 : i32 to vector<16xi32>
      %add3A_271 = arith.addi %add3A_270, %iota3A : vector<16xi32>
      %add3A_272 = arith.constant 80 : i32
      %add3A_273 = vector.broadcast %add3A_272 : i32 to vector<16xi32>
      %add3A_274 = arith.addi %add3A_271, %add3A_273 : vector<16xi32>
      %shift_right_logical3A_275 = arith.constant 7 : i32
      %shift_right_logical3A_276 = vector.broadcast %shift_right_logical3A_275 : i32 to vector<16xi32>
      %shift_right_logical3A_277 = arith.shrui %add3A_274, %shift_right_logical3A_276 : vector<16xi32>
      %and3A_278 = arith.constant 127 : i32
      %and3A_279 = vector.broadcast %and3A_278 : i32 to vector<16xi32>
      %and3A_280 = arith.andi %add3A_274, %and3A_279 : vector<16xi32>
      tpu.vector_store_idx %arg13[%shift_right_logical3A_277, %and3A_280], %gather3A : memref<26x128xi32, #tpu.memory_space<vmem>>[vector<16xi32>, vector<16xi32>], vector<16xi32>,
      %and3A_281 = arith.constant 127 : i32
      %and3A_282 = vector.broadcast %and3A_281 : i32 to vector<16xi32>
      %and3A_283 = arith.andi %add3A_274, %and3A_282 : vector<16xi32>
      tpu.vector_store_idx %arg14[%shift_right_logical3A_277, %and3A_283], %gather3A_200 : memref<26x128xi32, #tpu.memory_space<vmem>>[vector<16xi32>, vector<16xi32>], vector<16xi32>,
      %add3A_284 = vector.broadcast %parallel_loop3A_153 : i32 to vector<16xi32>
      %add3A_285 = arith.addi %add3A_284, %iota3A : vector<16xi32>
      %add3A_286 = arith.constant 96 : i32
      %add3A_287 = vector.broadcast %add3A_286 : i32 to vector<16xi32>
      %add3A_288 = arith.addi %add3A_285, %add3A_287 : vector<16xi32>
      %shift_right_logical3A_289 = arith.constant 7 : i32
      %shift_right_logical3A_290 = vector.broadcast %shift_right_logical3A_289 : i32 to vector<16xi32>
      %shift_right_logical3A_291 = arith.shrui %add3A_288, %shift_right_logical3A_290 : vector<16xi32>
      %and3A_292 = arith.constant 127 : i32
      %and3A_293 = vector.broadcast %and3A_292 : i32 to vector<16xi32>
      %and3A_294 = arith.andi %add3A_288, %and3A_293 : vector<16xi32>
      tpu.vector_store_idx %arg13[%shift_right_logical3A_291, %and3A_294], %gather3A : memref<26x128xi32, #tpu.memory_space<vmem>>[vector<16xi32>, vector<16xi32>], vector<16xi32>,
      %and3A_295 = arith.constant 127 : i32
      %and3A_296 = vector.broadcast %and3A_295 : i32 to vector<16xi32>
      %and3A_297 = arith.andi %add3A_288, %and3A_296 : vector<16xi32>
      tpu.vector_store_idx %arg14[%shift_right_logical3A_291, %and3A_297], %gather3A_200 : memref<26x128xi32, #tpu.memory_space<vmem>>[vector<16xi32>, vector<16xi32>], vector<16xi32>,
      %add3A_298 = vector.broadcast %parallel_loop3A_153 : i32 to vector<16xi32>
      %add3A_299 = arith.addi %add3A_298, %iota3A : vector<16xi32>
      %add3A_300 = arith.constant 112 : i32
      %add3A_301 = vector.broadcast %add3A_300 : i32 to vector<16xi32>
      %add3A_302 = arith.addi %add3A_299, %add3A_301 : vector<16xi32>
      %shift_right_logical3A_303 = arith.constant 7 : i32
      %shift_right_logical3A_304 = vector.broadcast %shift_right_logical3A_303 : i32 to vector<16xi32>
      %shift_right_logical3A_305 = arith.shrui %add3A_302, %shift_right_logical3A_304 : vector<16xi32>
      %and3A_306 = arith.constant 127 : i32
      %and3A_307 = vector.broadcast %and3A_306 : i32 to vector<16xi32>
      %and3A_308 = arith.andi %add3A_302, %and3A_307 : vector<16xi32>
      tpu.vector_store_idx %arg13[%shift_right_logical3A_305, %and3A_308], %gather3A : memref<26x128xi32, #tpu.memory_space<vmem>>[vector<16xi32>, vector<16xi32>], vector<16xi32>,
      %and3A_309 = arith.constant 127 : i32
      %and3A_310 = vector.broadcast %and3A_309 : i32 to vector<16xi32>
      %and3A_311 = arith.andi %add3A_302, %and3A_310 : vector<16xi32>
      tpu.vector_store_idx %arg14[%shift_right_logical3A_305, %and3A_311], %gather3A_200 : memref<26x128xi32, #tpu.memory_space<vmem>>[vector<16xi32>, vector<16xi32>], vector<16xi32>,
    } else {
    }
    %add3A_158 = arith.constant 128 : i32
    %add3A_159 = arith.addi %parallel_loop3A_153, %add3A_158 : i32
    %sub3A_160 = arith.constant 1 : i32
    %sub3A_161 = arith.subi %add3A_159, %sub3A_160 : i32
    %jit3A_162 = arith.constant 128 : i32
    %div3A_163 = arith.divsi %sub3A_161, %jit3A_162 : i32
    %sign3A_164 = arith.constant 0 : i32
    %sign3A_165 = arith.cmpi sgt, %sub3A_161, %sign3A_164 : i32
    %sign3A_166 = arith.extui %sign3A_165 : i1 to i32
    %sign3A_167 = arith.constant 0 : i32
    %sign3A_168 = arith.cmpi slt, %sub3A_161, %sign3A_167 : i32
    %sign3A_169 = arith.extui %sign3A_168 : i1 to i32
    %sign3A_170 = arith.subi %sign3A_166, %sign3A_169 : i32
    %sign3A_171 = arith.constant 0 : i32
    %sign3A_172 = arith.cmpi sgt, %jit3A_162, %sign3A_171 : i32
    %sign3A_173 = arith.extui %sign3A_172 : i1 to i32
    %sign3A_174 = arith.constant 0 : i32
    %sign3A_175 = arith.cmpi slt, %jit3A_162, %sign3A_174 : i32
    %sign3A_176 = arith.extui %sign3A_175 : i1 to i32
    %sign3A_177 = arith.subi %sign3A_173, %sign3A_176 : i32
    %ne3A_178 = arith.cmpi ne, %sign3A_170, %sign3A_177 : i32
    %rem3A_179 = arith.remsi %sub3A_161, %jit3A_162 : i32
    %ne3A_180 = arith.constant 0 : i32
    %ne3A_181 = arith.cmpi ne, %rem3A_179, %ne3A_180 : i32
    %and3A_182 = arith.andi %ne3A_178, %ne3A_181 : i1
    %sub3A_183 = arith.constant 1 : i32
    %sub3A_184 = arith.subi %div3A_163, %sub3A_183 : i32
    %select_n3A_185 = arith.select %and3A_182, %sub3A_184, %div3A_163 : i32
    %while3A_186 = arith.constant 0 : i32
    %while3A_187 = arith.constant 0 : i32
    %while3A_188 = arith.subi %select_n3A_185, %while3A_186 : i32
    %while3A_189 = arith.addi %while3A_186, %while3A_188 : i32
    %while3A_190 = arith.constant 1 : i32
    %while3A_191 = arith.divsi %while3A_188, %while3A_190 : i32
    %while3A_192 = arith.muli %while3A_191, %while3A_190 : i32
    %while3A_193 = arith.addi %while3A_186, %while3A_192 : i32
    %while3A_194 = arith.constant 1 : i32
    %while3A_195 = scf.for %while3A_198 = %while3A_186 to %while3A_193 step %while3A_194 iter_args(%while3A_199 = %while3A_187) -> (i32)  : i32 {
      %dma_start3A_200 = arith.constant 0 : i32
      %dma_start3A_201 = tpu.memref_slice %arg13[%while3A_198, %dma_start3A_200] : memref<26x128xi32, #tpu.memory_space<vmem>> -> memref<1x128xi32, #tpu.memory_space<vmem>>
      %dma_start3A_202 = tpu.memref_squeeze %dma_start3A_201 : memref<1x128xi32, #tpu.memory_space<vmem>> -> memref<128xi32, #tpu.memory_space<vmem>>
      %dma_start3A_203 = arith.constant 0 : i32
      %dma_start3A_204 = arith.constant 0 : i32
      %dma_start3A_205 = tpu.memref_slice %arg4[%dma_start3A_203, %dma_start3A_204] : memref<16384x128xf32, #tpu.memory_space<hbm>> -> memref<16384x128xf32, #tpu.memory_space<hbm>>
      tpu.enqueue_indirect_dma source(%dma_start3A_205 : memref<16384x128xf32, #tpu.memory_space<hbm>>) target(%arg15 : memref<128x128xf32, #tpu.memory_space<vmem>>) offsets(%dma_start3A_202 : memref<128xi32, #tpu.memory_space<vmem>>) semaphore(%arg23 : memref<!tpu.dma_semaphore, #tpu.memory_space<semaphore_mem>>)
      %dma_wait3A_206 = arith.constant 0 : i32
      %dma_wait3A_207 = tpu.memref_slice %arg13[%while3A_198, %dma_wait3A_206] : memref<26x128xi32, #tpu.memory_space<vmem>> -> memref<1x128xi32, #tpu.memory_space<vmem>>
      %dma_wait3A_208 = tpu.memref_squeeze %dma_wait3A_207 : memref<1x128xi32, #tpu.memory_space<vmem>> -> memref<128xi32, #tpu.memory_space<vmem>>
      %dma_wait3A_209 = arith.constant 0 : i32
      %dma_wait3A_210 = arith.constant 0 : i32
      %dma_wait3A_211 = tpu.memref_slice %arg4[%dma_wait3A_209, %dma_wait3A_210] : memref<16384x128xf32, #tpu.memory_space<hbm>> -> memref<16384x128xf32, #tpu.memory_space<hbm>>
      tpu.wait_indirect_dma semaphore(%arg23 : memref<!tpu.dma_semaphore, #tpu.memory_space<semaphore_mem>>) src(%dma_wait3A_211 : memref<16384x128xf32, #tpu.memory_space<hbm>>) dst(%arg15 : memref<128x128xf32, #tpu.memory_space<vmem>>)
      %dma_start3A_212 = arith.constant 0 : i32
      %dma_start3A_213 = tpu.memref_slice %arg14[%while3A_198, %dma_start3A_212] : memref<26x128xi32, #tpu.memory_space<vmem>> -> memref<1x128xi32, #tpu.memory_space<vmem>>
      %dma_start3A_214 = tpu.memref_squeeze %dma_start3A_213 : memref<1x128xi32, #tpu.memory_space<vmem>> -> memref<128xi32, #tpu.memory_space<vmem>>
      %dma_start3A_215 = arith.constant 0 : i32
      %dma_start3A_216 = arith.constant 0 : i32
      %dma_start3A_217 = tpu.memref_slice %arg2[%dma_start3A_215, %dma_start3A_216] : memref<100000x128xf32, #tpu.memory_space<hbm>> -> memref<100000x128xf32, #tpu.memory_space<hbm>>
      tpu.enqueue_indirect_dma source(%arg15 : memref<128x128xf32, #tpu.memory_space<vmem>>) target(%dma_start3A_217 : memref<100000x128xf32, #tpu.memory_space<hbm>>) offsets(%dma_start3A_214 : memref<128xi32, #tpu.memory_space<vmem>>) semaphore(%arg24 : memref<!tpu.dma_semaphore, #tpu.memory_space<semaphore_mem>>)
      %dma_wait3A_218 = arith.constant 0 : i32
      %dma_wait3A_219 = tpu.memref_slice %arg14[%while3A_198, %dma_wait3A_218] : memref<26x128xi32, #tpu.memory_space<vmem>> -> memref<1x128xi32, #tpu.memory_space<vmem>>
      %dma_wait3A_220 = tpu.memref_squeeze %dma_wait3A_219 : memref<1x128xi32, #tpu.memory_space<vmem>> -> memref<128xi32, #tpu.memory_space<vmem>>
      %dma_wait3A_221 = arith.constant 0 : i32
      %dma_wait3A_222 = arith.constant 0 : i32
      %dma_wait3A_223 = tpu.memref_slice %arg2[%dma_wait3A_221, %dma_wait3A_222] : memref<100000x128xf32, #tpu.memory_space<hbm>> -> memref<100000x128xf32, #tpu.memory_space<hbm>>
      tpu.wait_indirect_dma semaphore(%arg24 : memref<!tpu.dma_semaphore, #tpu.memory_space<semaphore_mem>>) src(%arg15 : memref<128x128xf32, #tpu.memory_space<vmem>>) dst(%dma_wait3A_223 : memref<100000x128xf32, #tpu.memory_space<hbm>>)
      %while3A_224 = arith.constant 0 : i32
      scf.yield %while3A_224 : i32
    }
    %while3A_196 = arith.constant 1 : i32
    %while3A_197 = scf.for %while3A_198 = %while3A_193 to %while3A_189 step %while3A_196 iter_args(%while3A_199 = %while3A_195) -> (i32)  : i32 {
      %dma_start3A_200 = arith.constant 0 : i32
      %dma_start3A_201 = tpu.memref_slice %arg13[%while3A_198, %dma_start3A_200] : memref<26x128xi32, #tpu.memory_space<vmem>> -> memref<1x128xi32, #tpu.memory_space<vmem>>
      %dma_start3A_202 = tpu.memref_squeeze %dma_start3A_201 : memref<1x128xi32, #tpu.memory_space<vmem>> -> memref<128xi32, #tpu.memory_space<vmem>>
      %dma_start3A_203 = arith.constant 0 : i32
      %dma_start3A_204 = arith.constant 0 : i32
      %dma_start3A_205 = tpu.memref_slice %arg4[%dma_start3A_203, %dma_start3A_204] : memref<16384x128xf32, #tpu.memory_space<hbm>> -> memref<16384x128xf32, #tpu.memory_space<hbm>>
      tpu.enqueue_indirect_dma source(%dma_start3A_205 : memref<16384x128xf32, #tpu.memory_space<hbm>>) target(%arg15 : memref<128x128xf32, #tpu.memory_space<vmem>>) offsets(%dma_start3A_202 : memref<128xi32, #tpu.memory_space<vmem>>) semaphore(%arg23 : memref<!tpu.dma_semaphore, #tpu.memory_space<semaphore_mem>>)
      %dma_wait3A_206 = arith.constant 0 : i32
      %dma_wait3A_207 = tpu.memref_slice %arg13[%while3A_198, %dma_wait3A_206] : memref<26x128xi32, #tpu.memory_space<vmem>> -> memref<1x128xi32, #tpu.memory_space<vmem>>
      %dma_wait3A_208 = tpu.memref_squeeze %dma_wait3A_207 : memref<1x128xi32, #tpu.memory_space<vmem>> -> memref<128xi32, #tpu.memory_space<vmem>>
      %dma_wait3A_209 = arith.constant 0 : i32
      %dma_wait3A_210 = arith.constant 0 : i32
      %dma_wait3A_211 = tpu.memref_slice %arg4[%dma_wait3A_209, %dma_wait3A_210] : memref<16384x128xf32, #tpu.memory_space<hbm>> -> memref<16384x128xf32, #tpu.memory_space<hbm>>
      tpu.wait_indirect_dma semaphore(%arg23 : memref<!tpu.dma_semaphore, #tpu.memory_space<semaphore_mem>>) src(%dma_wait3A_211 : memref<16384x128xf32, #tpu.memory_space<hbm>>) dst(%arg15 : memref<128x128xf32, #tpu.memory_space<vmem>>)
      %dma_start3A_212 = arith.constant 0 : i32
      %dma_start3A_213 = tpu.memref_slice %arg14[%while3A_198, %dma_start3A_212] : memref<26x128xi32, #tpu.memory_space<vmem>> -> memref<1x128xi32, #tpu.memory_space<vmem>>
      %dma_start3A_214 = tpu.memref_squeeze %dma_start3A_213 : memref<1x128xi32, #tpu.memory_space<vmem>> -> memref<128xi32, #tpu.memory_space<vmem>>
      %dma_start3A_215 = arith.constant 0 : i32
      %dma_start3A_216 = arith.constant 0 : i32
      %dma_start3A_217 = tpu.memref_slice %arg2[%dma_start3A_215, %dma_start3A_216] : memref<100000x128xf32, #tpu.memory_space<hbm>> -> memref<100000x128xf32, #tpu.memory_space<hbm>>
      tpu.enqueue_indirect_dma source(%arg15 : memref<128x128xf32, #tpu.memory_space<vmem>>) target(%dma_start3A_217 : memref<100000x128xf32, #tpu.memory_space<hbm>>) offsets(%dma_start3A_214 : memref<128xi32, #tpu.memory_space<vmem>>) semaphore(%arg24 : memref<!tpu.dma_semaphore, #tpu.memory_space<semaphore_mem>>)
      %dma_wait3A_218 = arith.constant 0 : i32
      %dma_wait3A_219 = tpu.memref_slice %arg14[%while3A_198, %dma_wait3A_218] : memref<26x128xi32, #tpu.memory_space<vmem>> -> memref<1x128xi32, #tpu.memory_space<vmem>>
      %dma_wait3A_220 = tpu.memref_squeeze %dma_wait3A_219 : memref<1x128xi32, #tpu.memory_space<vmem>> -> memref<128xi32, #tpu.memory_space<vmem>>
      %dma_wait3A_221 = arith.constant 0 : i32
      %dma_wait3A_222 = arith.constant 0 : i32
      %dma_wait3A_223 = tpu.memref_slice %arg2[%dma_wait3A_221, %dma_wait3A_222] : memref<100000x128xf32, #tpu.memory_space<hbm>> -> memref<100000x128xf32, #tpu.memory_space<hbm>>
      tpu.wait_indirect_dma semaphore(%arg24 : memref<!tpu.dma_semaphore, #tpu.memory_space<semaphore_mem>>) src(%arg15 : memref<128x128xf32, #tpu.memory_space<vmem>>) dst(%dma_wait3A_223 : memref<100000x128xf32, #tpu.memory_space<hbm>>)
      %while3A_224 = arith.constant 0 : i32
      scf.yield %while3A_224 : i32
    }
    return
  }
}

</mosaic_0001>

<sc_bundles>
// kernel: kernel.3.cloned.1.call-start
scs
__scs_entry_jumppad:
0x0: {  	(pc) =	sbr.rel $0x88, $3  }
0x1: {  	(tag) =	ssettag $0x0;
	lr =	simm.s32 $0x1  }
0x2: {  	[smem:$0x3F9C] =	sst lr;
	_ =	strace $0xD0000000  }
0x3: {  	_ = 	snop  }
0x4: {  	_ = 	snop  }
0x5: {  	_ = 	snop  }
0x6: {  	_ = 	snop  }
0x7: {  	_ = 	snop  }
__scs_overlays_trampoline_lowered:
0x8: {  	[smem:$0x3FAB] =	sst s0  }
0x9: {  	[smem:$0x3FAC] =	sst s1  }
0xa: {  	[smem:$0x3FAD] =	sst s2  }
0xb: {  	[smem:$0x3FAE] =	sst s3  }
0xc: {  	[smem:$0x3FAF] =	sst s4  }
0xd: {  	[smem:$0x3FB0] =	sst s5  }
0xe: {  	[smem:$0x3FB1] =	sst s6  }
0xf: {  	[smem:$0x3FB2] =	sst s7  }
0x10: {  	[smem:$0x3FB3] =	sst s8  }
0x11: {  	[smem:$0x3FB4] =	sst s9;
	s0 =	simm.s32 @!p0 $0x0  }
0x12: {  	s1 =	sld [smem:$0x3F9A];
	s0 =	simm.s32 @p0 $0x1  }
0x13: {  	[smem:$0x3FB5] =	sst s0;
	s0 =	simm.s32 @!p1 $0x0  }
0x14: {  	s2 =	sld [smem:$0x3F99];
	s0 =	simm.s32 @p1 $0x1  }
0x15: {  	[smem:$0x3FB6] =	sst s0;
	s0 =	simm.s32 @!p2 $0x0  }
0x16: {  	s3 =	sld [smem:$0x3FDB];
	s0 =	simm.s32 @p2 $0x1  }
0x17: {  	s4 =	simm.s32 $0x1BF5;
	[smem:$0x3FB8] =	sst s0  }
0x18: {  	s0 =	sld [smem:$0x3F9B];
	_ =	swait.ge [sflag:s4], $0x0  }
0x19: {  	s7 =	sld [smem:$0x3F9C]  }
0x1a: {  	s8 =	sadd.s32 $0xFFFFE003, lr  }
0x1b: {  	s9 =	sadd.s32 $0xFFFFFEF7, lr;
	s5 =	simm.s32 $0xFFFFFFFF;
	p2 =	slt.u32 s8, $0xFFFFF086  }
0x1c: {  	p1 =	slt.u32 s9, $0xF7A;
	s5 =	simm.s32 @!p2 $0x0  }
0x1d: {  	s5 =	simm.s32 @p1 $0x1;
	p0 =	seq.s32 s7, s2  }
0x1e: {  	s7 =	smul.u32 @!p0 $0xF7A, s2;
	p2 =	seq.s32 @!p0 s5, $0x0  }
0x1f: {  	s9 =	smul.u32 $0xF7A, s1;
	s8 =	simm.s32 @!p0 $0x1BF5;
	p2 =	por !p2, p0  }
0x20: {  	[sflag:s8] =	ssyncset.s32 @!p0 $0xFFFFF086;
	s6 =	sadd.s32 @!p0 s3, s7;
	s7 =	simm.s32 @!p0 $0x108  }
0x21: {  	s3 =	sadd.s32 s3, s9;
	s6 =	sadd.s32 @!p0 $0x88, s6;
	s7 =	simm.s32 @p2 $0x1082  }
0x22: {  	[simem:s7], [sflag:s8] =	dma.local @!p0 [hbm:s6], $0xF7A  }
0x23: {  	s9 =	sor.u32 $0xD0000000, s2;
	s6 =	simm.s32 $0x108;
	_ =	swait.ge @!p0 [sflag:s8], $0x0  }
0x24: {  	s3 =	sadd.s32 $0x88, s3;
	s6 =	simm.s32 @!p1 $0x1082;
	[sflag:s4] =	ssyncset.s32 $0xFFFFF086  }
0x25: {  	[simem:s6], [sflag:s4] =	dma.local [hbm:s3], $0xF7A  }
0x26: {  	[smem:$0x3F9C] =	sst s1;
	(tag) =	ssettag s2;
	_ =	strace s9  }
0x27: {  	s1 =	sld [smem:$0x3FAC]  }
0x28: {  	s2 =	sld [smem:$0x3FAD]  }
0x29: {  	s4 =	sld [smem:$0x3FAF]  }
0x2a: {  	p0 =	seq.s32 s5, $0x0;
	s5 =	sld [smem:$0x3FB0]  }
0x2b: {  	s6 =	sld [smem:$0x3FB1]  }
0x2c: {  	s7 =	sld [smem:$0x3FB2]  }
0x2d: {  	s3 =	simm.s32 $0x108;
	s8 =	sld [smem:$0x3FB3]  }
0x2e: {  	s3 =	simm.s32 @!p0 $0x1082;
	s9 =	sld [smem:$0x3FB4]  }
0x2f: {  	lr =	sadd.s32 s0, s3;
	s0 =	sld [smem:$0x3FAB]  }
0x30: {  	s3 =	sld [smem:$0x3FAE]  }
0x31: {  	[smem:$0x3FB7] =	sst s10  }
0x32: {  	s10 =	sld [smem:$0x3FB5];
	_ =	sdelay $0x3  }
0x33: {  	p0 =	seq.s32 s10, $0x1;
	s10 =	sld [smem:$0x3FB7];
	_ =	sdelay $0x3  }
0x34: {  	[smem:$0x3FB7] =	sst s10  }
0x35: {  	s10 =	sld [smem:$0x3FB6];
	_ =	sdelay $0x3  }
0x36: {  	p1 =	seq.s32 s10, $0x1;
	s10 =	sld [smem:$0x3FB7];
	_ =	sdelay $0x3  }
0x37: {  	[smem:$0x3FB7] =	sst s10  }
0x38: {  	s10 =	sld [smem:$0x3FB8]  }
0x39: {  	_ = 	snop;
	(pc) =	sbr.ind lr, $3  }
0x3a: {  	_ = 	snop  }
0x3b: {  	_ = 	snop  }
0x3c: {  	p2 =	seq.s32 s10, $0x1;
	s10 =	sld [smem:$0x3FB7]  }
0x3d: {  	_ =	shalt  }
0x3e: {  	_ =	shalt  }
0x3f: {  	_ =	shalt  }
0x40: {  	_ =	shalt  }
0x41: {  	_ =	shalt  }
0x42: {  	_ =	shalt  }
0x43: {  	_ =	shalt  }
0x44: {  	_ =	shalt  }
0x45: {  	_ =	shalt  }
0x46: {  	_ =	shalt  }
0x47: {  	_ =	shalt  }
0x48: {  	_ =	shalt  }
0x49: {  	_ =	shalt  }
0x4a: {  	_ =	shalt  }
0x4b: {  	_ =	shalt  }
0x4c: {  	_ =	shalt  }
0x4d: {  	_ =	shalt  }
0x4e: {  	_ =	shalt  }
0x4f: {  	_ =	shalt  }
0x50: {  	_ =	shalt  }
0x51: {  	_ =	shalt  }
0x52: {  	_ =	shalt  }
0x53: {  	_ =	shalt  }
0x54: {  	_ =	shalt  }
0x55: {  	_ =	shalt  }
0x56: {  	_ =	shalt  }
0x57: {  	_ =	shalt  }
0x58: {  	_ =	shalt  }
0x59: {  	_ =	shalt  }
0x5a: {  	_ =	shalt  }
0x5b: {  	_ =	shalt  }
0x5c: {  	_ =	shalt  }
0x5d: {  	_ =	shalt  }
0x5e: {  	_ =	shalt  }
0x5f: {  	_ =	shalt  }
0x60: {  	_ =	shalt  }
0x61: {  	_ =	shalt  }
0x62: {  	_ =	shalt  }
0x63: {  	_ =	shalt  }
0x64: {  	_ =	shalt  }
0x65: {  	_ =	shalt  }
0x66: {  	_ =	shalt  }
0x67: {  	_ =	shalt  }
0x68: {  	_ =	shalt  }
0x69: {  	_ =	shalt  }
0x6a: {  	_ =	shalt  }
0x6b: {  	_ =	shalt  }
0x6c: {  	_ =	shalt  }
0x6d: {  	_ =	shalt  }
0x6e: {  	_ =	shalt  }
0x6f: {  	_ =	shalt  }
0x70: {  	_ =	shalt  }
0x71: {  	_ =	shalt  }
0x72: {  	_ =	shalt  }
0x73: {  	_ =	shalt  }
0x74: {  	_ =	shalt  }
0x75: {  	_ =	shalt  }
0x76: {  	_ =	shalt  }
0x77: {  	_ =	shalt  }
0x78: {  	_ =	shalt  }
0x79: {  	_ =	shalt  }
0x7a: {  	_ =	shalt  }
0x7b: {  	_ =	shalt  }
0x7c: {  	_ =	shalt  }
0x7d: {  	_ =	shalt  }
0x7e: {  	_ =	shalt  }
0x7f: {  	_ =	shalt  }
0x80: {  	_ =	shalt  }
0x81: {  	_ =	shalt  }
0x82: {  	_ =	shalt  }
0x83: {  	_ =	shalt  }
0x84: {  	_ =	shalt  }
0x85: {  	_ =	shalt  }
0x86: {  	_ =	shalt  }
0x87: {  	_ =	shalt  }
.Lfunc_end0:
.L_simem_size_0:
called_computation_lowered:
.L_overlay_start_0:
0x88: {  	s2 =	sld [smem:$0x3FD9]  }
0x89: {  	s3 =	sld [smem:$0x3FFE];
	_ =	sdelay $0x1  }
0x8a: {  	s1 =	srdreg.scid  }
0x8b: {  	s0 =	sand.u32 $0x1, s1  }
0x8c: {  	s18 =	sshll.u32 s0, $0xA;
	s2 =	sadd.s32 s3, s2  }
0x8d: {  	s2 =	sadd.s32 s2, s18  }
0x8e: {  	[smem:$0x3FC3] =	sst s2  }
0x8f: {  	_ = 	snop  }
0x90: {  	s2 =	sld [smem:$0x3FC8]  }
0x91: {  	s19 =	sld [smem:$0x3FC7]  }
0x92: {  	s4 =	sld [smem:$0x3FC6]  }
0x93: {  	s5 =	sld [smem:$0x3FC5]  }
0x94: {  	s6 =	sld [smem:$0x3FD0];
	(tm) =	ssettm $0x1  }
0x95: {  	s7 =	sld [smem:$0x3FFB];
	_ =	sdelay $0x3  }
0x96: {  	_ =	strace s7  }
0x97: {  	s7 =	sld [smem:$0x3FFC];
	_ =	sdelay $0x3  }
0x98: {  	_ =	strace s7  }
0x99: {  	s7 =	sld [smem:$0x3FFD];
	_ =	sdelay $0x3  }
0x9a: {  	_ =	strace s7  }
0x9b: {  	_ =	strace $0x8FFFFFFF  }
0x9c: {  	s20 =	sld [smem:$0x3FDB];
	_ =	sdelay $0x1  }
0x9d: {  	s8 =	simm.s32 $_scs_section_size  }
0x9e: {  	s9 =	simm.s32 $_size__tile_overlayer_lowered;
	s10 =	simm.s32 $_tile_overlayer_lowered  }
0x9f: {  	s23 =	simm.s32 $0x1BFF;
	s22 =	sshll.u32 s10, $0x1;
	s7 =	sadd.s32 s8, s20  }
0xa0: {  	s11 =	simm.s32 $0x0;
	s21 =	sshll.u32 s9, $0x1;
	s9 =	sadd.s32 s22, s7  }
0xa1: {  	[timem:s11], [sflag:s23] =	dma.local [hbm:s9], s21  }
0xa2: {  	_ =	swait.ge [sflag:s23], s21  }
0xa3: {  	s8 =	ssub.s32 $0x0, s21;
	[sflag:s23] =	ssyncset.done $0x0  }
0xa4: {  	[sflag:s23] =	ssyncadd.s32 s8;
	_ =	sdelay $0x1  }
0xa5: {  	s24 =	simm.s32 $0x1B8B  }
0xa6: {  	_ =	swait.ge [sflag:s24], $0x1  }
0xa7: {  	[sflag:s24] =	ssyncset.done $0x0  }
0xa8: {  	s25 =	simm.s32 $0x1B8E;
	[sflag:s24] =	ssyncadd.s32 $0xFFFFFFFF  }
0xa9: {  	s26 =	simm.s32 $execute0_lowered;
	[smem:$0x3FD2] =	sst s25  }
0xaa: {  	s8 =	sshll.u32 s26, $0x1;
	_ =	strace $0x80000046;
	[dreg:$0x1] =	wrdreg $0xFFFFFFFF  }
0xab: {  	s28 =	simm.s32 $_size_execute0_lowered;
	s7 =	sadd.s32 s7, s8;
	[dreg:$0x0] =	wrdreg $0x0  }
0xac: {  	s8 =	sshll.u32 s28, $0x1;
	[dreg:$0x2] =	wrdreg s7  }
0xad: {  	[dreg:$0x3] =	wrdreg s8  }
0xae: {  	[dreg:$0x4] =	wrdreg $0xC0  }
0xaf: {  	_ =	task [dreg:s11], $0x5FFFF  }
0xb0: {  	[dreg:$0x1] =	wrdreg $0xFFFFFFFF  }
0xb1: {  	[dreg:$0x0] =	wrdreg $0x60  }
0xb2: {  	[dreg:$0x2] =	wrdreg s6  }
0xb3: {  	[dreg:$0x3] =	wrdreg s2  }
0xb4: {  	[dreg:$0x4] =	wrdreg s19  }
0xb5: {  	[dreg:$0x5] =	wrdreg s4  }
0xb6: {  	[dreg:$0x6] =	wrdreg s5  }
0xb7: {  	[dreg:$0x7] =	wrdreg $0x9  }
0xb8: {  	_ =	task.clear_ibuf [dreg:s11], $0x8FFFF;
	_ =	strace $0x90000046  }
0xb9: {  	s29 =	simm.s32 $0x9;
	_ =	strace $0x80000048  }
0xba: {  	_ =	swait.ge [sflag:s29], $0x1  }
0xbb: {  	[sflag:s29] =	ssyncadd.s32 $0xFFFFFFFF  }
0xbc: {  	_ =	strace $0x90000048  }
0xbd: {  	_ =	sfence  }
0xbe: {  	s30 =	sld [smem:$0x0];
	_ =	sdelay $0x2  }
0xbf: {  	s31 =	sshll.u32 s1, $0xD;
	s1 =	sshrl.u32 s1, $0x2  }
0xc0: {  	s3 =	sand.u32 $0x4000, s31;
	s1 =	sadd.s32 s1, s30  }
0xc1: {  	s0 =	sor.u32 s3, s0;
	s1 =	sshll.u32 s1, $0x11  }
0xc2: {  	s0 =	sor.u32 s1, s0  }
0xc3: {  	s0 =	sadd.s32 $0x8F2B, s0  }
0xc4: {  	[sflag:s0] =	ssyncadd.remote.s32 $0x1  }
0xc5: {  	_ =	sfence.sel $0xFFFF  }
0xc6: {  	[dreg:$0x0] =	wrdreg $0xFFFFFFFF;
	(pc) =	sbr.abs _section_cstart, $3  }
0xc7: {  	[dreg:$0x1] =	wrdreg $0xFFFFFFFF  }
0xc8: {  	_ =	task.clear_ibuf [dreg:s11], $0x2FFFF;
	_ =	strace $0x9FFFFFFF  }
0xc9: {  	(tm) =	ssettm $0x7FFFFFFF  }
tec
execute0_lowered:
.L_overlay_start_1:
0x0: {  	(tag) =	ssettag $0x1  }
0x1: {  	s1 =	rddreg [dreg:$0x0]  }
0x2: {  	s0 =	rddreg [dreg:$0x1]  }
0x3: {  	s2 =	rddreg [dreg:$0x2]  }
0x4: {  	s8 =	rddreg [dreg:$0x4];
	s3 =	srdreg.scid;
	s6 =	simm.s32 $0x0  }
0x5: {  	s5 =	stileid.u32;
	s16 =	simm.s32 $0x4000;
	s17 =	simm.s32 $0x1  }
0x6: {  	s18 =	simm.s32 $0x8C80;
	s19 =	simm.s32 $0x2;
	s20 =	simm.s32 $0x3  }
0x7: {  	s21 =	simm.s32 $0x4;
	s22 =	simm.s32 $0x13980;
	s23 =	simm.s32 $0xCD00  }
0x8: {  	s24 =	simm.s32 $0x5;
	s25 =	simm.s32 $0x8000;
	s26 =	simm.s32 $0xD980  }
0x9: {  	s28 =	simm.s32 $0xE980;
	s29 =	simm.s32 $0x80;
	s30 =	simm.s32 $0xF980  }
0xa: {  	s31 =	simm.s32 $0x7;
	s3 =	sand.u32 $0x1, s3;
	[smem:$0x7FF] =	sst s6  }
0xb: {  	v0 =	vimm.s32 $0xFFEDCBA9;
	v1 =	vimm.s32 $0x87654321;
	s5 =	sshll.u32 s5, $0x1;
	s11 =	sadd.s32 $0x200, s8;
	s12 =	sadd.s32 $0x400, s8  }
0xc: {  	s13 =	sadd.s32 $0x600, s8;
	v0 =	vunpack.c.l.s4.s8 v0;
	v1 =	vunpack.c.l.s4.s8 v1;
	_ =	strace $0x80000047;
	[dreg:$0x6] =	wrdreg s11  }
0xd: {  	s4 =	ssub.s32 $0x2, s3;
	s3 =	sor.u32 s3, s5;
	[dreg:$0x7] =	wrdreg s12  }
.Ltmp0:
0xe: {  	[dreg:$0x8] =	wrdreg s13;
	s7 =	sshrl.u32 s4, $0x1;
	v2 =	vunpack.c.0.s8.s32 v0;
	v3 =	vunpack.c.0.s8.s32 v1;
	(pc) =	sbr.rel .LBB2_1-.Ltmp0, $4  }
0xf: {  	s5 =	smul.u32 $0xC38, s3;
	p0 =	seq.s32 s3, $0x1F;
	s3 =	simm.s32 $0xBD8  }
0x10: {  	v4 =	vlaneseq.u32;
	v5 =	vimm.s32 $0x7FFFFFFF;
	s11 =	sadd.s32 $0x2F59, s0;
	s4 =	ssub.s32 s4, s7;
	s3 =	simm.s32 @!p0 $0xC38;
	v6 =	vcombine.low v3, v2  }
0x11: {  	vm0 =	vcmask $0x3F3C;
	s14 =	sshrl.u32 s5, $0x3;
	s15 =	sadd.s32 $0xFFFFFFFF, s3;
	s12 =	smax.u32 s4, $0x1;
	v0 =	vmov s3;
	v1 =	vmov s5  }
0x12: {  	v3 =	vimm.s32 $0x0;
	s4 =	simm.s32 $0x0;
	s10 =	sadd.s32 s0, s14;
	v2 =	vmov s15;
	s0 =	simm.s32 $0x8;
	v6 =	vand.u32 $0xF, v6  }
.LBB2_21:
0x13: {  	[sflag:s0] =	ssyncadd.s32 $0xFFFFC000  }
.LBB2_22:
0x14: {  	s4 =	sadd.s32 $0x1, s4  }
0x15: {  	p1 =	sne.s32 s4, s12  }
.Ltmp1:
0x16: {  	_ = 	snop;
	(pc) =	sbr.rel @!p1 .LBB2_23-.Ltmp1, $1  }
0x17: {  	_ =	sdelay $0x3  }
.LBB2_1:
0x18: {  	s3 =	rddreg [dreg:$0x4]  }
0x19: {  	[tilespmem:s6], [sflag:$0x1] =	stream.linear.gather [hbm4b:s3+s6], $0x1000, $0x38;
	[tilespmem:$0x13A00] =	vst v63  }
0x1a: {  	s15 =	rddreg [dreg:$0x6];
	s5 =	simm.s32 $0x1000  }
0x1b: {  	[tilespmem:s5], [sflag:$0x2] =	stream.linear.gather [hbm4b:s15+s6], $0x1000, $0x38;
	[tilespmem:$0x13A00] =	vst v63  }
0x1c: {  	s7 =	rddreg [dreg:$0x7];
	s8 =	simm.s32 $0x2000  }
0x1d: {  	[tilespmem:s8], [sflag:$0x3] =	stream.linear.gather [hbm4b:s7+s6], $0x1000, $0x38;
	[tilespmem:$0x13A00] =	vst v63  }
0x1e: {  	s9 =	rddreg [dreg:$0x8];
	s13 =	simm.s32 $0x3000  }
0x1f: {  	[tilespmem:s13], [sflag:$0x4] =	stream.linear.gather [hbm4b:s9+s6], $0x1000, $0x38;
	[tilespmem:$0x13A00] =	vst v63  }
0x20: {  	s14 =	rddreg [dreg:$0x3]  }
0x21: {  	[tilespmem:s16], [sflag:$0x5] =	stream.linear.gather [hbm4b:s14+s6], $0x4000, $0x38;
	[tilespmem:$0x13A00] =	vst v63  }
0x22: {  	s3 =	simm.s32 @p0 $0x0;
	s5 =	simm.s32 @p0 $0x8000  }
0x23: {  	[tilespmem:s5], [sflag:$0x6] =	stream.linear.gather @p0 [hbm4b:s11+s3], $0xBD8, $0x38;
	[tilespmem:$0x13A00] =	vst v63  }
0x24: {  	s3 =	simm.s32 @!p0 $0x0;
	s5 =	simm.s32 @!p0 $0x8000  }
0x25: {  	[tilespmem:s5], [sflag:$0x6] =	stream.linear.gather @!p0 [hbm4b:s10+s3], $0xC38, $0x38;
	[tilespmem:$0x13A00] =	vst v63  }
0x26: {  	_ =	swait.ge [sflag:s17], $0x1000  }
0x27: {  	[sflag:s17] =	ssyncset.done $0x0  }
0x28: {  	s15 =	simm.s32 $0x40;
	[sflag:s17] =	ssyncadd.s32 $0xFFFFF000  }
0x29: {  	v7 =	vld [tilespmem:s15+$0xFFFFFFD0]  }
0x2a: {  	v8 =	vld [tilespmem:s15+$0xFFFFFFE0]  }
0x2b: {  	v9 =	vld [tilespmem:s15+$0xFFFFFFF0]  }
0x2c: {  	v10 =	vld [tilespmem:s15+$0x0]  }
0x2d: {  	v11 =	vld [tilespmem:s15+$0xFFFFFFC0]  }
0x2e: {  	v12 =	vld [tilespmem:s15+$0x10]  }
0x2f: {  	v16 =	vld [tilespmem:s15+$0x20]  }
0x30: {  	s3 =	simm.s32 $0xC0;
	v18 =	vld [tilespmem:s15+$0x30]  }
0x31: {  	v13 =	vimm.s32 $0xFFFFFFFF;
	v14 =	vadd.s32 $0x10, v4;
	v15 =	vadd.s32 $0x20, v4;
	v56 =	vld [tilespmem:s3+$0xFFFFFFE0]  }
0x32: {  	v17 =	vadd.s32 $0x30, v4;
	v19 =	vadd.s32 $0x40, v4;
	v20 =	vadd.s32 $0x50, v4  }
0x33: {  	v21 =	vadd.s32 $0x60, v4;
	v22 =	vadd.s32 $0x70, v4;
	v7 =	vsub.s32 v7, v1  }
0x34: {  	v11 =	vsub.s32 v11, v1;
	v23 =	vsub.s32 v8, v1;
	v9 =	vsub.s32 v9, v1  }
0x35: {  	v10 =	vsub.s32 v10, v1;
	v12 =	vsub.s32 v12, v1;
	v16 =	vsub.s32 v16, v1  }
0x36: {  	v25 =	vsub.s32 v18, v1;
	v46 =	vsub.s32 v56, v1;
	vm2 =	vlt.u32 v11, v0  }
0x37: {  	vm3 =	vlt.u32 v7, v0;
	vm4 =	vlt.u32 v23, v0;
	vm5 =	vlt.u32 v9, v0  }
0x38: {  	vm6 =	vlt.u32 v10, v0;
	vm10 =	vlt.u32 v12, v0;
	vm9 =	vlt.u32 v16, v0  }
0x39: {  	vm1 =	vlt.u32 v25, v0;
	v11 =	vshll.u32 v11, $0xE;
	v7 =	vshll.u32 v7, $0xE  }
0x3a: {  	v23 =	vshll.u32 v23, $0xE;
	v9 =	vshll.u32 v9, $0xE;
	v10 =	vshll.u32 v10, $0xE  }
0x3b: {  	v12 =	vshll.u32 v12, $0xE;
	v16 =	vshll.u32 v16, $0xE;
	v8 =	vmpcnt.ones.xlane vm2  }
0x3c: {  	v25 =	vshll.u32 v25, $0xE;
	v24 =	vmpcnt.ones.xlane vm3;
	v18 =	vmpcnt.ones.xlane vm5  }
0x3d: {  	v30 =	vsel vm2, $0x1, v3;
	v32 =	vsel vm3, $0x1, v3;
	v33 =	vsel vm4, $0x1, v3  }
0x3e: {  	v59 =	vld [tilespmem:s3+$0xFFFFFFF0];
	v34 =	vsel vm6, $0x1, v3;
	v55 =	vsel vm10, $0x1, v3;
	v35 =	vsel vm9, $0x1, v3  }
0x3f: {  	v36 =	vsel vm1, $0x1, v3;
	v57 =	vor.u32 v4, v11;
	v38 =	vor.u32 v19, v10;
	v19 =	vld [tilespmem:s3+$0x0]  }
0x40: {  	v58 =	vor.u32 v14, v7;
	v9 =	vor.u32 v17, v9;
	v39 =	vor.u32 v20, v12;
	v20 =	vld [tilespmem:s3+$0xFFFFFFC0]  }
0x41: {  	v17 =	vor.u32 v22, v25;
	v22 =	vld [tilespmem:s3+$0x10];
	(xrf0) =	vadd.scan.msk.s32 $0xffff, v30;
	v26 =	vadd.s32 v13, v8;
	v8 =	vmpcnt.ones.xlane vm4  }
0x42: {  	v23 =	vor.u32 v15, v23;
	v40 =	vor.u32 v21, v16;
	(xrf0) =	vadd.scan.msk.s32 $0xffff, v32;
	v24 =	vadd.s32 v26, v24  }
0x43: {  	v25 =	vsub.s32 v59, v1;
	v30 =	vsel vm5, $0x1, v3;
	(xrf0) =	vadd.scan.msk.s32 $0xffff, v33;
	v27 =	vadd.s32 v24, v8  }
0x44: {  	v33 =	vshll.u32 v46, $0xE;
	v8 =	vmpcnt.ones.xlane vm6;
	(xrf0) =	vadd.scan.msk.s32 $0xffff, v30;
	v30 =	vld [tilespmem:s3+$0xFFFFFFD0];
	v28 =	vadd.s32 v27, v18  }
0x45: {  	v18 =	vmpcnt.ones.xlane vm10;
	v45 =	vsub.s32 v20, v1;
	v21 =	vsub.s32 v19, v1  }
0x46: {  	(xrf0) =	vadd.scan.msk.s32 $0xffff, v34;
	v20 =	vsub.s32 v22, v1;
	v29 =	vadd.s32 v28, v8;
	v8 =	vmpcnt.ones.xlane vm9  }
0x47: {  	(xrf0) =	vadd.scan.msk.s32 $0xffff, v55;
	vm7 =	vlt.u32 v45, v0;
	v31 =	vadd.s32 v29, v18;
	v18 =	vmpcnt.ones.xlane vm1;
	v7, _, _ =	vpop (xrf0)  }
0x48: {  	vm1 =	vmmov vm1;
	(xrf0) =	vadd.scan.msk.s32 $0xffff, v35;
	v8 =	vadd.s32 v31, v8;
	v37 =	vadd.s32 v13, v7;
	v7, _, _ =	vpop (xrf0)  }
0x49: {  	v18 =	vadd.s32 v8, v18;
	v26 =	vadd.s32 v26, v7;
	v7, _, _ =	vpop (xrf0);
	v44 =	vsub.s32 v30, v1  }
0x4a: {  	v24 =	vadd.s32 v24, v7;
	v7 =	vadd.s32 $0x80, v4;
	vm8 =	vlt.u32 v44, v0  }
0x4b: {  	v10, _, _ =	vpop (xrf0);
	(xrf0) =	vadd.scan.msk.s32 $0xffff, v36;
	v36 =	vshll.u32 v45, $0xE;
	v34 =	vshll.u32 v44, $0xE;
	v16 =	vadd.s32 $0x10, v7  }
0x4c: {  	v15 =	vadd.s32 $0x20, v7;
	v41 =	vadd.s32 v27, v10;
	v10, _, _ =	vpop (xrf0);
	v13 =	vadd.s32 $0x30, v7  }
0x4d: {  	v11 =	vadd.s32 $0x40, v7;
	v27 =	vld [tilespmem:s3+$0x20];
	v12 =	vadd.s32 $0x50, v7;
	v61 =	vsel vm8, $0x1, v3;
	v14, _, _ =	vpop (xrf0)  }
0x4e: {  	v42 =	vadd.s32 v28, v10;
	v10 =	vadd.s32 $0x60, v7;
	v43 =	vadd.s32 v29, v14;
	v14, _, _ =	vpop (xrf0)  }
0x4f: {  	v28 =	vld [tilespmem:s3+$0x30];
	[tilespmem:v37+s18+$0x0] =	vst.idx.msk vm2, v57;
	v29 =	vmpcnt.ones.xlane vm7;
	vm2 =	vlt.u32 v46, v0;
	v30 =	vadd.s32 v31, v14  }
0x50: {  	v14 =	vadd.s32 $0x70, v7;
	v31 =	vmpcnt.ones.xlane vm8;
	[tilespmem:v26+s18+$0x0] =	vst.idx.msk vm3, v58;
	v26 =	vmpcnt.ones.xlane vm2  }
0x51: {  	vm3 =	vlt.u32 v25, v0;
	v62 =	vsel vm2, $0x1, v3;
	[tilespmem:v24+s18+$0x0] =	vst.idx.msk vm4, v23;
	vm4 =	vlt.u32 v21, v0  }
0x52: {  	v23 =	vmpcnt.ones.xlane vm3;
	v19 =	vsub.s32 v27, v1;
	v27 =	vadd.s32 v18, v29;
	[tilespmem:v41+s18+$0x0] =	vst.idx.msk vm5, v9  }
0x53: {  	v9 =	vmpcnt.ones.xlane vm4;
	vm5 =	vlt.u32 v20, v0;
	v29 =	vadd.s32 v27, v31;
	[tilespmem:v42+s18+$0x0] =	vst.idx.msk vm6, v38  }
0x54: {  	v22 =	vsub.s32 v28, v1;
	v24 =	vmpcnt.ones.xlane vm5;
	v28 =	vadd.s32 v29, v26;
	[tilespmem:v43+s18+$0x0] =	vst.idx.msk vm10, v39  }
0x55: {  	vm6 =	vlt.u32 v19, v0;
	v26 =	vadd.s32 v28, v23;
	[tilespmem:v30+s18+$0x0] =	vst.idx.msk vm9, v40;
	v30 =	vsel vm7, $0x1, v3  }
0x56: {  	vm10 =	vlt.u32 v22, v0;
	v23 =	vadd.s32 v26, v9;
	v9 =	vmpcnt.ones.xlane vm6;
	(xrf0) =	vadd.scan.msk.s32 $0xffff, v30  }
0x57: {  	v63 =	vsel vm3, $0x1, v3;
	v60 =	vmpcnt.ones.xlane vm10;
	v24 =	vadd.s32 v23, v24;
	(xrf0) =	vadd.scan.msk.s32 $0xffff, v61  }
0x58: {  	v38 =	vsel vm4, $0x1, v3;
	v37 =	vsel vm5, $0x1, v3;
	v31 =	vadd.s32 v24, v9;
	(xrf0) =	vadd.scan.msk.s32 $0xffff, v62  }
0x59: {  	s5 =	simm.s32 $0x8;
	v35 =	vsel vm6, $0x1, v3;
	v32 =	vsel vm10, $0x1, v3;
	v30, _, _ =	vpop (xrf0);
	v9 =	vadd.s32 v31, v60;
	(xrf0) =	vadd.scan.msk.s32 $0xffff, v63  }
.LBB2_2:
0x5a: {  	v25 =	vshll.u32 v25, $0xE;
	v21 =	vshll.u32 v21, $0xE  }
0x5b: {  	s5 =	sadd.s32 $0x8, s5;
	v20 =	vshll.u32 v20, $0xE;
	s3 =	sadd.s32 $0x80, s3;
	(xrf0) =	vadd.scan.msk.s32 $0xffff, v38;
	vm9 =	vmmov vm1;
	vm1 =	vmmov vm10  }
0x5c: {  	v19 =	vshll.u32 v19, $0xE;
	v22 =	vshll.u32 v22, $0xE;
	v30 =	vadd.s32 v8, v30;
	v8 =	vmovc v31;
	v38 =	vld [tilespmem:s3+$0xFFFFFFD0];
	p1 =	slt.u32 s5, $0xF8;
	(xrf0) =	vadd.scan.msk.s32 $0xffff, v37  }
0x5d: {  	v36 =	vor.u32 v7, v36;
	v34 =	vor.u32 v16, v34;
	v33 =	vor.u32 v15, v33;
	v31 =	vld [tilespmem:s3+$0xFFFFFFE0];
	v15, _, _ =	vpop (xrf0);
	(xrf0) =	vadd.scan.msk.s32 $0xffff, v35  }
0x5e: {  	v37 =	vor.u32 v13, v25;
	v39 =	vor.u32 v11, v21;
	v35 =	vld [tilespmem:s3+$0xFFFFFFF0];
	v18 =	vadd.s32 v18, v15;
	v11, _, _ =	vpop (xrf0);
	(xrf0) =	vadd.scan.msk.s32 $0xffff, v32  }
0x5f: {  	v40 =	vor.u32 v10, v19;
	v32 =	vor.u32 v12, v20;
	v21 =	vld [tilespmem:s3+$0x0];
	v25 =	vadd.s32 v27, v11;
	v10, _, _ =	vpop (xrf0)  }
0x60: {  	v7 =	vadd.s32 $0x80, v7;
	v20 =	vor.u32 v14, v22;
	v19 =	vld [tilespmem:s3+$0xFFFFFFC0];
	v27 =	vadd.s32 v29, v10;
	v10, _, _ =	vpop (xrf0)  }
0x61: {  	v16 =	vadd.s32 $0x10, v7;
	v15 =	vadd.s32 $0x20, v7;
	v22 =	vld [tilespmem:s3+$0x10];
	v28 =	vadd.s32 v28, v10;
	v10, _, _ =	vpop (xrf0);
	[tilespmem:v30+s18+$0x0] =	vst.idx.msk vm9, v17  }
0x62: {  	v13 =	vadd.s32 $0x30, v7;
	v11 =	vadd.s32 $0x40, v7;
	v29 =	vld [tilespmem:s3+$0x20];
	v26 =	vadd.s32 v26, v10;
	v14, _, _ =	vpop (xrf0)  }
0x63: {  	v12 =	vadd.s32 $0x50, v7;
	v10 =	vadd.s32 $0x60, v7;
	v41 =	vld [tilespmem:s3+$0x30];
	[tilespmem:v18+s18+$0x0] =	vst.idx.msk vm7, v36;
	v23 =	vadd.s32 v23, v14;
	v17, _, _ =	vpop (xrf0)  }
0x64: {  	v42 =	vsub.s32 v38, v1;
	v14 =	vadd.s32 $0x70, v7;
	[tilespmem:v25+s18+$0x0] =	vst.idx.msk vm8, v34;
	v24 =	vadd.s32 v24, v17;
	v30, _, _ =	vpop (xrf0)  }
0x65: {  	v43 =	vsub.s32 v31, v1;
	v25 =	vsub.s32 v35, v1;
	v17 =	vmovc v20;
	v34 =	vsub.s32 v19, v1  }
0x66: {  	v18 =	vmovc v9;
	v21 =	vsub.s32 v21, v1;
	vm7 =	vlt.u32 v34, v0;
	v20 =	vsub.s32 v22, v1  }
0x67: {  	vm8 =	vlt.u32 v42, v0;
	v31 =	vmpcnt.ones.xlane vm7;
	v19 =	vsub.s32 v29, v1;
	[tilespmem:v27+s18+$0x0] =	vst.idx.msk vm2, v33  }
0x68: {  	v29 =	vmpcnt.ones.xlane vm8;
	vm2 =	vlt.u32 v43, v0;
	v22 =	vsub.s32 v41, v1;
	[tilespmem:v28+s18+$0x0] =	vst.idx.msk vm3, v37  }
0x69: {  	vm3 =	vlt.u32 v25, v0;
	v27 =	vadd.s32 v9, v31;
	v9 =	vmpcnt.ones.xlane vm2;
	[tilespmem:v26+s18+$0x0] =	vst.idx.msk vm4, v39  }
0x6a: {  	v26 =	vmpcnt.ones.xlane vm3;
	vm4 =	vlt.u32 v21, v0;
	v29 =	vadd.s32 v27, v29;
	[tilespmem:v23+s18+$0x0] =	vst.idx.msk vm5, v32  }
0x6b: {  	vm5 =	vlt.u32 v20, v0;
	v28 =	vadd.s32 v29, v9;
	v9 =	vmpcnt.ones.xlane vm4;
	[tilespmem:v24+s18+$0x0] =	vst.idx.msk vm6, v40  }
0x6c: {  	v24 =	vmpcnt.ones.xlane vm5;
	vm6 =	vlt.u32 v19, v0;
	v26 =	vadd.s32 v28, v26  }
0x6d: {  	vm10 =	vlt.u32 v22, v0;
	v23 =	vadd.s32 v26, v9;
	v9 =	vmpcnt.ones.xlane vm6  }
.Ltmp2:
0x6e: {  	v32 =	vsel vm7, $0x1, v3;
	v33 =	vmpcnt.ones.xlane vm10;
	v24 =	vadd.s32 v23, v24;
	(pc) =	sbr.rel @p1 .LBB2_2-.Ltmp2, $4  }
0x6f: {  	v35 =	vsel vm8, $0x1, v3;
	v36 =	vsel vm2, $0x1, v3;
	v31 =	vadd.s32 v24, v9;
	(xrf0) =	vadd.scan.msk.s32 $0xffff, v32  }
0x70: {  	v39 =	vsel vm3, $0x1, v3;
	v38 =	vsel vm4, $0x1, v3;
	v9 =	vadd.s32 v31, v33;
	(xrf0) =	vadd.scan.msk.s32 $0xffff, v35  }
0x71: {  	v37 =	vsel vm5, $0x1, v3;
	v32 =	vsel vm10, $0x1, v3;
	v35 =	vsel vm6, $0x1, v3;
	(xrf0) =	vadd.scan.msk.s32 $0xffff, v36  }
0x72: {  	v33 =	vshll.u32 v43, $0xE;
	v36 =	vshll.u32 v34, $0xE;
	v34 =	vshll.u32 v42, $0xE;
	(xrf0) =	vadd.scan.msk.s32 $0xffff, v39  }
0x73: {  	(xrf0) =	vadd.scan.msk.s32 $0xffff, v38  }
0x74: {  	vm1 =	vmmov vm1;
	(xrf0) =	vadd.scan.msk.s32 $0xffff, v37  }
0x75: {  	v8 =	vadd.s32 v8, v30;
	v30, _, _ =	vpop (xrf0);
	(xrf0) =	vadd.scan.msk.s32 $0xffff, v35  }
0x76: {  	v18 =	vadd.s32 v18, v30;
	v30, _, _ =	vpop (xrf0);
	(xrf0) =	vadd.scan.msk.s32 $0xffff, v32  }
0x77: {  	v27 =	vadd.s32 v27, v30;
	v30, _, _ =	vpop (xrf0)  }
0x78: {  	v29 =	vadd.s32 v29, v30;
	v30, _, _ =	vpop (xrf0)  }
0x79: {  	v28 =	vadd.s32 v28, v30;
	v30, _, _ =	vpop (xrf0)  }
0x7a: {  	v25 =	vshll.u32 v25, $0xE;
	v47 =	vor.u32 v7, v36;
	[tilespmem:v8+s18+$0x0] =	vst.idx.msk vm1, v17;
	v8 =	vadd.s32 v26, v30;
	v17, _, _ =	vpop (xrf0)  }
0x7b: {  	v16 =	vor.u32 v16, v34;
	vm1 =	vmmov vm10;
	[tilespmem:v18+s18+$0x0] =	vst.idx.msk vm7, v47;
	v17 =	vadd.s32 v23, v17;
	v18, _, _ =	vpop (xrf0)  }
0x7c: {  	v15 =	vor.u32 v15, v33;
	vm1 =	vmmov vm1;
	[tilespmem:v27+s18+$0x0] =	vst.idx.msk vm8, v16;
	v16 =	vadd.s32 v24, v18;
	v18, _, _ =	vpop (xrf0)  }
0x7d: {  	v21 =	vshll.u32 v21, $0xE;
	v13 =	vor.u32 v13, v25;
	[tilespmem:v29+s18+$0x0] =	vst.idx.msk vm2, v15;
	v15 =	vadd.s32 v31, v18  }
0x7e: {  	v11 =	vor.u32 v11, v21;
	v18 =	vshll.u32 v20, $0xE;
	[tilespmem:v28+s18+$0x0] =	vst.idx.msk vm3, v13  }
0x7f: {  	v13 =	vshll.u32 v19, $0xE;
	v12 =	vor.u32 v12, v18;
	[tilespmem:v8+s18+$0x0] =	vst.idx.msk vm4, v11  }
0x80: {  	v8 =	vshll.u32 v22, $0xE;
	v10 =	vor.u32 v10, v13;
	[tilespmem:v17+s18+$0x0] =	vst.idx.msk vm5, v12  }
0x81: {  	v8 =	vor.u32 v14, v8;
	[tilespmem:v16+s18+$0x0] =	vst.idx.msk vm6, v10  }
0x82: {  	[tilespmem:v15+s18+$0x0] =	vst.idx.msk vm1, v8  }
0x83: {  	_ =	swait.ge [sflag:s19], $0x1000  }
0x84: {  	[sflag:s19] =	ssyncset.done $0x0  }
0x85: {  	s3 =	simm.s32 $0x1070;
	[sflag:s19] =	ssyncadd.s32 $0xFFFFF000  }
0x86: {  	v8 =	vld [tilespmem:s3+$0xFFFFFFA0]  }
0x87: {  	v10 =	vld [tilespmem:s3+$0xFFFFFFB0]  }
0x88: {  	v11 =	vld [tilespmem:s3+$0xFFFFFFC0]  }
0x89: {  	v12 =	vld [tilespmem:s3+$0xFFFFFFD0]  }
0x8a: {  	v13 =	vld [tilespmem:s3+$0xFFFFFF90]  }
0x8b: {  	v14 =	vld [tilespmem:s3+$0xFFFFFFE0]  }
0x8c: {  	v17 =	vld [tilespmem:s3+$0xFFFFFFF0]  }
0x8d: {  	v7 =	vadd.s32 $0x80, v7;
	v18 =	vld [tilespmem:s3+$0x0]  }
0x8e: {  	v21 =	vadd.s32 $0x50, v7;
	v24 =	vadd.s32 $0x70, v7;
	v20 =	vadd.s32 $0x40, v7  }
0x8f: {  	v19 =	vadd.s32 $0x30, v7;
	v22 =	vadd.s32 $0x60, v7;
	v16 =	vadd.s32 $0x20, v7  }
0x90: {  	v15 =	vadd.s32 $0x10, v7;
	v23 =	vsub.s32 v8, v1;
	v13 =	vsub.s32 v13, v1  }
0x91: {  	v10 =	vsub.s32 v10, v1;
	v11 =	vsub.s32 v11, v1;
	v12 =	vsub.s32 v12, v1  }
0x92: {  	s3 =	simm.s32 $0x10F0;
	v14 =	vsub.s32 v14, v1;
	v17 =	vsub.s32 v17, v1;
	v26 =	vsub.s32 v18, v1  }
0x93: {  	v55 =	vld [tilespmem:s3+$0xFFFFFFB0];
	vm2 =	vlt.u32 v13, v0;
	vm3 =	vlt.u32 v23, v0;
	vm4 =	vlt.u32 v10, v0  }
0x94: {  	vm5 =	vlt.u32 v11, v0;
	vm6 =	vlt.u32 v12, v0;
	vm10 =	vlt.u32 v14, v0  }
0x95: {  	vm9 =	vlt.u32 v17, v0;
	vm1 =	vlt.u32 v26, v0;
	v13 =	vshll.u32 v13, $0xE  }
0x96: {  	v23 =	vshll.u32 v23, $0xE;
	v10 =	vshll.u32 v10, $0xE;
	v11 =	vshll.u32 v11, $0xE  }
0x97: {  	v12 =	vshll.u32 v12, $0xE;
	v14 =	vshll.u32 v14, $0xE;
	v17 =	vshll.u32 v17, $0xE  }
0x98: {  	v26 =	vshll.u32 v26, $0xE;
	v33 =	vsub.s32 v55, v1;
	v8 =	vmpcnt.ones.xlane vm2  }
0x99: {  	v25 =	vmpcnt.ones.xlane vm3;
	v18 =	vmpcnt.ones.xlane vm5;
	v31 =	vsel vm2, $0x1, v3  }
0x9a: {  	v49 =	vsel vm3, $0x1, v3;
	v50 =	vsel vm4, $0x1, v3;
	v51 =	vsel vm6, $0x1, v3  }
0x9b: {  	v52 =	vsel vm10, $0x1, v3;
	v53 =	vsel vm9, $0x1, v3;
	v54 =	vsel vm1, $0x1, v3  }
0x9c: {  	v56 =	vor.u32 v7, v13;
	v23 =	vor.u32 v15, v23;
	v59 =	vor.u32 v19, v11;
	v19 =	vld [tilespmem:s3+$0xFFFFFFD0]  }
0x9d: {  	v57 =	vor.u32 v16, v10;
	v39 =	vor.u32 v20, v12;
	v40 =	vor.u32 v21, v14;
	v20 =	vld [tilespmem:s3+$0xFFFFFF90]  }
0x9e: {  	v41 =	vor.u32 v22, v17;
	v17 =	vor.u32 v24, v26;
	v7 =	vadd.s32 $0x80, v7;
	v22 =	vld [tilespmem:s3+$0xFFFFFFE0]  }
0x9f: {  	v26 =	vld [tilespmem:s3+$0xFFFFFFF0];
	(xrf0) =	vadd.scan.msk.s32 $0xffff, v31;
	v31 =	vsel vm5, $0x1, v3;
	v27 =	vadd.s32 v9, v8;
	v8 =	vmpcnt.ones.xlane vm4  }
0xa0: {  	v16 =	vadd.s32 $0x10, v7;
	v15 =	vadd.s32 $0x20, v7;
	(xrf0) =	vadd.scan.msk.s32 $0xffff, v49;
	v25 =	vadd.s32 v27, v25  }
0xa1: {  	v13 =	vadd.s32 $0x30, v7;
	v11 =	vadd.s32 $0x40, v7;
	(xrf0) =	vadd.scan.msk.s32 $0xffff, v50;
	v28 =	vadd.s32 v25, v8  }
0xa2: {  	v12 =	vadd.s32 $0x50, v7;
	v8 =	vmpcnt.ones.xlane vm6;
	(xrf0) =	vadd.scan.msk.s32 $0xffff, v31;
	v29 =	vadd.s32 v28, v18  }
0xa3: {  	v31 =	vld [tilespmem:s3+$0xFFFFFFA0];
	v18 =	vmpcnt.ones.xlane vm10;
	(xrf0) =	vadd.scan.msk.s32 $0xffff, v51;
	v45 =	vsub.s32 v20, v1;
	v21 =	vsub.s32 v19, v1  }
0xa4: {  	v58 =	vld [tilespmem:s3+$0xFFFFFFC0];
	v20 =	vsub.s32 v22, v1;
	v19 =	vsub.s32 v26, v1;
	v30 =	vadd.s32 v29, v8;
	(xrf0) =	vadd.scan.msk.s32 $0xffff, v52  }
0xa5: {  	v8 =	vmpcnt.ones.xlane vm9;
	vm7 =	vlt.u32 v45, v0;
	v36 =	vshll.u32 v45, $0xE;
	v10, _, _ =	vpop (xrf0)  }
0xa6: {  	v48 =	vadd.s32 v30, v18;
	v18 =	vmpcnt.ones.xlane vm1;
	(xrf0) =	vadd.scan.msk.s32 $0xffff, v53;
	v9 =	vadd.s32 v9, v10;
	v10, _, _ =	vpop (xrf0)  }
0xa7: {  	vm1 =	vmmov vm1;
	v8 =	vadd.s32 v48, v8;
	v27 =	vadd.s32 v27, v10;
	v10, _, _ =	vpop (xrf0)  }
0xa8: {  	v18 =	vadd.s32 v8, v18;
	v44 =	vsub.s32 v31, v1;
	v42 =	vadd.s32 v25, v10;
	v10, _, _ =	vpop (xrf0)  }
0xa9: {  	v25 =	vsub.s32 v58, v1;
	vm8 =	vlt.u32 v44, v0;
	v24 =	vadd.s32 v28, v10;
	v10, _, _ =	vpop (xrf0)  }
0xaa: {  	v34 =	vshll.u32 v44, $0xE;
	v28 =	vld [tilespmem:s3+$0x0];
	v26 =	vmpcnt.ones.xlane vm8;
	v61 =	vsel vm8, $0x1, v3;
	v14, _, _ =	vpop (xrf0)  }
0xab: {  	v43 =	vadd.s32 v29, v10;
	v10 =	vadd.s32 $0x60, v7;
	v30 =	vadd.s32 v30, v14  }
0xac: {  	v14, _, _ =	vpop (xrf0);
	[tilespmem:v9+s18+$0x0] =	vst.idx.msk vm2, v56;
	v9 =	vmpcnt.ones.xlane vm7;
	vm2 =	vlt.u32 v33, v0;
	v33 =	vshll.u32 v33, $0xE  }
0xad: {  	v31 =	vadd.s32 v48, v14;
	v14 =	vadd.s32 $0x70, v7;
	[tilespmem:v27+s18+$0x0] =	vst.idx.msk vm3, v23;
	vm3 =	vlt.u32 v25, v0  }
0xae: {  	(xrf0) =	vadd.scan.msk.s32 $0xffff, v54;
	v62 =	vsel vm2, $0x1, v3;
	v27 =	vadd.s32 v18, v9;
	v9 =	vmpcnt.ones.xlane vm2  }
0xaf: {  	[tilespmem:v42+s18+$0x0] =	vst.idx.msk vm4, v57;
	v23 =	vmpcnt.ones.xlane vm3;
	vm4 =	vlt.u32 v21, v0;
	v22 =	vsub.s32 v28, v1  }
0xb0: {  	v63 =	vsel vm3, $0x1, v3;
	v29 =	vadd.s32 v27, v26;
	[tilespmem:v24+s18+$0x0] =	vst.idx.msk vm5, v59;
	vm5 =	vlt.u32 v20, v0  }
0xb1: {  	v28 =	vadd.s32 v29, v9;
	v9 =	vmpcnt.ones.xlane vm4;
	[tilespmem:v43+s18+$0x0] =	vst.idx.msk vm6, v39;
	v24 =	vmpcnt.ones.xlane vm5  }
0xb2: {  	vm6 =	vlt.u32 v19, v0;
	v26 =	vadd.s32 v28, v23;
	[tilespmem:v30+s18+$0x0] =	vst.idx.msk vm10, v40;
	v30 =	vsel vm7, $0x1, v3  }
0xb3: {  	vm10 =	vlt.u32 v22, v0;
	v23 =	vadd.s32 v26, v9;
	v9 =	vmpcnt.ones.xlane vm6;
	(xrf0) =	vadd.scan.msk.s32 $0xffff, v30  }
0xb4: {  	v38 =	vsel vm4, $0x1, v3;
	v60 =	vmpcnt.ones.xlane vm10;
	v24 =	vadd.s32 v23, v24;
	(xrf0) =	vadd.scan.msk.s32 $0xffff, v61  }
0xb5: {  	v37 =	vsel vm5, $0x1, v3;
	[tilespmem:v31+s18+$0x0] =	vst.idx.msk vm9, v41;
	v31 =	vadd.s32 v24, v9;
	(xrf0) =	vadd.scan.msk.s32 $0xffff, v62  }
0xb6: {  	s5 =	simm.s32 $0x108;
	v35 =	vsel vm6, $0x1, v3;
	v32 =	vsel vm10, $0x1, v3;
	v30, _, _ =	vpop (xrf0);
	v9 =	vadd.s32 v31, v60;
	(xrf0) =	vadd.scan.msk.s32 $0xffff, v63  }
.LBB2_4:
0xb7: {  	v25 =	vshll.u32 v25, $0xE;
	v21 =	vshll.u32 v21, $0xE  }
0xb8: {  	s5 =	sadd.s32 $0x8, s5;
	v20 =	vshll.u32 v20, $0xE;
	s3 =	sadd.s32 $0x80, s3;
	(xrf0) =	vadd.scan.msk.s32 $0xffff, v38;
	vm9 =	vmmov vm1;
	vm1 =	vmmov vm10  }
0xb9: {  	v19 =	vshll.u32 v19, $0xE;
	v22 =	vshll.u32 v22, $0xE;
	v30 =	vadd.s32 v8, v30;
	v8 =	vmovc v31;
	v38 =	vld [tilespmem:s3+$0xFFFFFFA0];
	p1 =	slt.u32 s5, $0x1F8;
	(xrf0) =	vadd.scan.msk.s32 $0xffff, v37  }
0xba: {  	v36 =	vor.u32 v7, v36;
	v34 =	vor.u32 v16, v34;
	v33 =	vor.u32 v15, v33;
	v31 =	vld [tilespmem:s3+$0xFFFFFFB0];
	v15, _, _ =	vpop (xrf0);
	(xrf0) =	vadd.scan.msk.s32 $0xffff, v35  }
0xbb: {  	v37 =	vor.u32 v13, v25;
	v39 =	vor.u32 v11, v21;
	v35 =	vld [tilespmem:s3+$0xFFFFFFC0];
	v18 =	vadd.s32 v18, v15;
	v11, _, _ =	vpop (xrf0);
	(xrf0) =	vadd.scan.msk.s32 $0xffff, v32  }
0xbc: {  	v40 =	vor.u32 v10, v19;
	v32 =	vor.u32 v12, v20;
	v21 =	vld [tilespmem:s3+$0xFFFFFFD0];
	v25 =	vadd.s32 v27, v11;
	v10, _, _ =	vpop (xrf0)  }
0xbd: {  	v7 =	vadd.s32 $0x80, v7;
	v20 =	vor.u32 v14, v22;
	v19 =	vld [tilespmem:s3+$0xFFFFFF90];
	v27 =	vadd.s32 v29, v10;
	v10, _, _ =	vpop (xrf0)  }
0xbe: {  	v16 =	vadd.s32 $0x10, v7;
	v15 =	vadd.s32 $0x20, v7;
	v22 =	vld [tilespmem:s3+$0xFFFFFFE0];
	v28 =	vadd.s32 v28, v10;
	v10, _, _ =	vpop (xrf0);
	[tilespmem:v30+s18+$0x0] =	vst.idx.msk vm9, v17  }
0xbf: {  	v13 =	vadd.s32 $0x30, v7;
	v11 =	vadd.s32 $0x40, v7;
	v29 =	vld [tilespmem:s3+$0xFFFFFFF0];
	v26 =	vadd.s32 v26, v10;
	v14, _, _ =	vpop (xrf0)  }
0xc0: {  	v12 =	vadd.s32 $0x50, v7;
	v10 =	vadd.s32 $0x60, v7;
	v41 =	vld [tilespmem:s3+$0x0];
	[tilespmem:v18+s18+$0x0] =	vst.idx.msk vm7, v36;
	v23 =	vadd.s32 v23, v14;
	v17, _, _ =	vpop (xrf0)  }
0xc1: {  	v42 =	vsub.s32 v38, v1;
	v14 =	vadd.s32 $0x70, v7;
	[tilespmem:v25+s18+$0x0] =	vst.idx.msk vm8, v34;
	v24 =	vadd.s32 v24, v17;
	v30, _, _ =	vpop (xrf0)  }
0xc2: {  	v43 =	vsub.s32 v31, v1;
	v25 =	vsub.s32 v35, v1;
	v17 =	vmovc v20;
	v34 =	vsub.s32 v19, v1  }
0xc3: {  	v18 =	vmovc v9;
	v21 =	vsub.s32 v21, v1;
	vm7 =	vlt.u32 v34, v0;
	v20 =	vsub.s32 v22, v1  }
0xc4: {  	vm8 =	vlt.u32 v42, v0;
	v31 =	vmpcnt.ones.xlane vm7;
	v19 =	vsub.s32 v29, v1;
	[tilespmem:v27+s18+$0x0] =	vst.idx.msk vm2, v33  }
0xc5: {  	v29 =	vmpcnt.ones.xlane vm8;
	vm2 =	vlt.u32 v43, v0;
	v22 =	vsub.s32 v41, v1;
	[tilespmem:v28+s18+$0x0] =	vst.idx.msk vm3, v37  }
0xc6: {  	vm3 =	vlt.u32 v25, v0;
	v27 =	vadd.s32 v9, v31;
	v9 =	vmpcnt.ones.xlane vm2;
	[tilespmem:v26+s18+$0x0] =	vst.idx.msk vm4, v39  }
0xc7: {  	v26 =	vmpcnt.ones.xlane vm3;
	vm4 =	vlt.u32 v21, v0;
	v29 =	vadd.s32 v27, v29;
	[tilespmem:v23+s18+$0x0] =	vst.idx.msk vm5, v32  }
0xc8: {  	vm5 =	vlt.u32 v20, v0;
	v28 =	vadd.s32 v29, v9;
	v9 =	vmpcnt.ones.xlane vm4;
	[tilespmem:v24+s18+$0x0] =	vst.idx.msk vm6, v40  }
0xc9: {  	v24 =	vmpcnt.ones.xlane vm5;
	vm6 =	vlt.u32 v19, v0;
	v26 =	vadd.s32 v28, v26  }
0xca: {  	vm10 =	vlt.u32 v22, v0;
	v23 =	vadd.s32 v26, v9;
	v9 =	vmpcnt.ones.xlane vm6  }
.Ltmp3:
0xcb: {  	v32 =	vsel vm7, $0x1, v3;
	v33 =	vmpcnt.ones.xlane vm10;
	v24 =	vadd.s32 v23, v24;
	(pc) =	sbr.rel @p1 .LBB2_4-.Ltmp3, $4  }
0xcc: {  	v35 =	vsel vm8, $0x1, v3;
	v36 =	vsel vm2, $0x1, v3;
	v31 =	vadd.s32 v24, v9;
	(xrf0) =	vadd.scan.msk.s32 $0xffff, v32  }
0xcd: {  	v39 =	vsel vm3, $0x1, v3;
	v38 =	vsel vm4, $0x1, v3;
	v9 =	vadd.s32 v31, v33;
	(xrf0) =	vadd.scan.msk.s32 $0xffff, v35  }
0xce: {  	v37 =	vsel vm5, $0x1, v3;
	v32 =	vsel vm10, $0x1, v3;
	v35 =	vsel vm6, $0x1, v3;
	(xrf0) =	vadd.scan.msk.s32 $0xffff, v36  }
0xcf: {  	v33 =	vshll.u32 v43, $0xE;
	v36 =	vshll.u32 v34, $0xE;
	v34 =	vshll.u32 v42, $0xE;
	(xrf0) =	vadd.scan.msk.s32 $0xffff, v39  }
0xd0: {  	(xrf0) =	vadd.scan.msk.s32 $0xffff, v38  }
0xd1: {  	vm1 =	vmmov vm1;
	(xrf0) =	vadd.scan.msk.s32 $0xffff, v37  }
0xd2: {  	v8 =	vadd.s32 v8, v30;
	v30, _, _ =	vpop (xrf0);
	(xrf0) =	vadd.scan.msk.s32 $0xffff, v35  }
0xd3: {  	v18 =	vadd.s32 v18, v30;
	v30, _, _ =	vpop (xrf0);
	(xrf0) =	vadd.scan.msk.s32 $0xffff, v32  }
0xd4: {  	v27 =	vadd.s32 v27, v30;
	v30, _, _ =	vpop (xrf0)  }
0xd5: {  	v29 =	vadd.s32 v29, v30;
	v30, _, _ =	vpop (xrf0)  }
0xd6: {  	v28 =	vadd.s32 v28, v30;
	v30, _, _ =	vpop (xrf0)  }
0xd7: {  	v25 =	vshll.u32 v25, $0xE;
	v47 =	vor.u32 v7, v36;
	[tilespmem:v8+s18+$0x0] =	vst.idx.msk vm1, v17;
	v8 =	vadd.s32 v26, v30;
	v17, _, _ =	vpop (xrf0)  }
0xd8: {  	v16 =	vor.u32 v16, v34;
	vm1 =	vmmov vm10;
	[tilespmem:v18+s18+$0x0] =	vst.idx.msk vm7, v47;
	v17 =	vadd.s32 v23, v17;
	v18, _, _ =	vpop (xrf0)  }
0xd9: {  	v15 =	vor.u32 v15, v33;
	vm1 =	vmmov vm1;
	[tilespmem:v27+s18+$0x0] =	vst.idx.msk vm8, v16;
	v16 =	vadd.s32 v24, v18;
	v18, _, _ =	vpop (xrf0)  }
0xda: {  	v21 =	vshll.u32 v21, $0xE;
	v13 =	vor.u32 v13, v25;
	[tilespmem:v29+s18+$0x0] =	vst.idx.msk vm2, v15;
	v15 =	vadd.s32 v31, v18  }
0xdb: {  	v11 =	vor.u32 v11, v21;
	v18 =	vshll.u32 v20, $0xE;
	[tilespmem:v28+s18+$0x0] =	vst.idx.msk vm3, v13  }
0xdc: {  	v13 =	vshll.u32 v19, $0xE;
	v12 =	vor.u32 v12, v18;
	[tilespmem:v8+s18+$0x0] =	vst.idx.msk vm4, v11  }
0xdd: {  	v8 =	vshll.u32 v22, $0xE;
	v10 =	vor.u32 v10, v13;
	[tilespmem:v17+s18+$0x0] =	vst.idx.msk vm5, v12  }
0xde: {  	v8 =	vor.u32 v14, v8;
	[tilespmem:v16+s18+$0x0] =	vst.idx.msk vm6, v10  }
0xdf: {  	[tilespmem:v15+s18+$0x0] =	vst.idx.msk vm1, v8  }
0xe0: {  	_ =	swait.ge [sflag:s20], $0x1000  }
0xe1: {  	[sflag:s20] =	ssyncset.done $0x0  }
0xe2: {  	s3 =	simm.s32 $0x2070;
	[sflag:s20] =	ssyncadd.s32 $0xFFFFF000  }
0xe3: {  	v8 =	vld [tilespmem:s3+$0xFFFFFFA0]  }
0xe4: {  	v10 =	vld [tilespmem:s3+$0xFFFFFFB0]  }
0xe5: {  	v11 =	vld [tilespmem:s3+$0xFFFFFFC0]  }
0xe6: {  	v12 =	vld [tilespmem:s3+$0xFFFFFFD0]  }
0xe7: {  	v13 =	vld [tilespmem:s3+$0xFFFFFF90]  }
0xe8: {  	v14 =	vld [tilespmem:s3+$0xFFFFFFE0]  }
0xe9: {  	v17 =	vld [tilespmem:s3+$0xFFFFFFF0]  }
0xea: {  	v7 =	vadd.s32 $0x80, v7;
	v18 =	vld [tilespmem:s3+$0x0]  }
0xeb: {  	v21 =	vadd.s32 $0x50, v7;
	v24 =	vadd.s32 $0x70, v7;
	v20 =	vadd.s32 $0x40, v7  }
0xec: {  	v19 =	vadd.s32 $0x30, v7;
	v22 =	vadd.s32 $0x60, v7;
	v16 =	vadd.s32 $0x20, v7  }
0xed: {  	v15 =	vadd.s32 $0x10, v7;
	v23 =	vsub.s32 v8, v1;
	v13 =	vsub.s32 v13, v1  }
0xee: {  	v10 =	vsub.s32 v10, v1;
	v11 =	vsub.s32 v11, v1;
	v12 =	vsub.s32 v12, v1  }
0xef: {  	s3 =	simm.s32 $0x20F0;
	v14 =	vsub.s32 v14, v1;
	v17 =	vsub.s32 v17, v1;
	v26 =	vsub.s32 v18, v1  }
0xf0: {  	v55 =	vld [tilespmem:s3+$0xFFFFFFB0];
	vm2 =	vlt.u32 v13, v0;
	vm3 =	vlt.u32 v23, v0;
	vm4 =	vlt.u32 v10, v0  }
0xf1: {  	vm5 =	vlt.u32 v11, v0;
	vm6 =	vlt.u32 v12, v0;
	vm10 =	vlt.u32 v14, v0  }
0xf2: {  	vm9 =	vlt.u32 v17, v0;
	vm1 =	vlt.u32 v26, v0;
	v13 =	vshll.u32 v13, $0xE  }
0xf3: {  	v23 =	vshll.u32 v23, $0xE;
	v10 =	vshll.u32 v10, $0xE;
	v11 =	vshll.u32 v11, $0xE  }
0xf4: {  	v12 =	vshll.u32 v12, $0xE;
	v14 =	vshll.u32 v14, $0xE;
	v17 =	vshll.u32 v17, $0xE  }
0xf5: {  	v26 =	vshll.u32 v26, $0xE;
	v33 =	vsub.s32 v55, v1;
	v8 =	vmpcnt.ones.xlane vm2  }
0xf6: {  	v25 =	vmpcnt.ones.xlane vm3;
	v18 =	vmpcnt.ones.xlane vm5;
	v31 =	vsel vm2, $0x1, v3  }
0xf7: {  	v49 =	vsel vm3, $0x1, v3;
	v50 =	vsel vm4, $0x1, v3;
	v51 =	vsel vm6, $0x1, v3  }
0xf8: {  	v52 =	vsel vm10, $0x1, v3;
	v53 =	vsel vm9, $0x1, v3;
	v54 =	vsel vm1, $0x1, v3  }
0xf9: {  	v56 =	vor.u32 v7, v13;
	v23 =	vor.u32 v15, v23;
	v59 =	vor.u32 v19, v11;
	v19 =	vld [tilespmem:s3+$0xFFFFFFD0]  }
0xfa: {  	v57 =	vor.u32 v16, v10;
	v39 =	vor.u32 v20, v12;
	v40 =	vor.u32 v21, v14;
	v20 =	vld [tilespmem:s3+$0xFFFFFF90]  }
0xfb: {  	v41 =	vor.u32 v22, v17;
	v17 =	vor.u32 v24, v26;
	v7 =	vadd.s32 $0x80, v7;
	v22 =	vld [tilespmem:s3+$0xFFFFFFE0]  }
0xfc: {  	v26 =	vld [tilespmem:s3+$0xFFFFFFF0];
	(xrf0) =	vadd.scan.msk.s32 $0xffff, v31;
	v31 =	vsel vm5, $0x1, v3;
	v27 =	vadd.s32 v9, v8;
	v8 =	vmpcnt.ones.xlane vm4  }
0xfd: {  	v16 =	vadd.s32 $0x10, v7;
	v15 =	vadd.s32 $0x20, v7;
	(xrf0) =	vadd.scan.msk.s32 $0xffff, v49;
	v25 =	vadd.s32 v27, v25  }
0xfe: {  	v13 =	vadd.s32 $0x30, v7;
	v11 =	vadd.s32 $0x40, v7;
	(xrf0) =	vadd.scan.msk.s32 $0xffff, v50;
	v28 =	vadd.s32 v25, v8  }
0xff: {  	v12 =	vadd.s32 $0x50, v7;
	v8 =	vmpcnt.ones.xlane vm6;
	(xrf0) =	vadd.scan.msk.s32 $0xffff, v31;
	v29 =	vadd.s32 v28, v18  }
0x100: {  	v31 =	vld [tilespmem:s3+$0xFFFFFFA0];
	v18 =	vmpcnt.ones.xlane vm10;
	(xrf0) =	vadd.scan.msk.s32 $0xffff, v51;
	v45 =	vsub.s32 v20, v1;
	v21 =	vsub.s32 v19, v1  }
0x101: {  	v58 =	vld [tilespmem:s3+$0xFFFFFFC0];
	v20 =	vsub.s32 v22, v1;
	v19 =	vsub.s32 v26, v1;
	v30 =	vadd.s32 v29, v8;
	(xrf0) =	vadd.scan.msk.s32 $0xffff, v52  }
0x102: {  	v8 =	vmpcnt.ones.xlane vm9;
	vm7 =	vlt.u32 v45, v0;
	v36 =	vshll.u32 v45, $0xE;
	v10, _, _ =	vpop (xrf0)  }
0x103: {  	v48 =	vadd.s32 v30, v18;
	v18 =	vmpcnt.ones.xlane vm1;
	(xrf0) =	vadd.scan.msk.s32 $0xffff, v53;
	v9 =	vadd.s32 v9, v10;
	v10, _, _ =	vpop (xrf0)  }
0x104: {  	vm1 =	vmmov vm1;
	v8 =	vadd.s32 v48, v8;
	v27 =	vadd.s32 v27, v10;
	v10, _, _ =	vpop (xrf0)  }
0x105: {  	v18 =	vadd.s32 v8, v18;
	v44 =	vsub.s32 v31, v1;
	v42 =	vadd.s32 v25, v10;
	v10, _, _ =	vpop (xrf0)  }
0x106: {  	v25 =	vsub.s32 v58, v1;
	vm8 =	vlt.u32 v44, v0;
	v24 =	vadd.s32 v28, v10;
	v10, _, _ =	vpop (xrf0)  }
0x107: {  	v34 =	vshll.u32 v44, $0xE;
	v28 =	vld [tilespmem:s3+$0x0];
	v26 =	vmpcnt.ones.xlane vm8;
	v61 =	vsel vm8, $0x1, v3;
	v14, _, _ =	vpop (xrf0)  }
0x108: {  	v43 =	vadd.s32 v29, v10;
	v10 =	vadd.s32 $0x60, v7;
	v30 =	vadd.s32 v30, v14  }
0x109: {  	v14, _, _ =	vpop (xrf0);
	[tilespmem:v9+s18+$0x0] =	vst.idx.msk vm2, v56;
	v9 =	vmpcnt.ones.xlane vm7;
	vm2 =	vlt.u32 v33, v0;
	v33 =	vshll.u32 v33, $0xE  }
0x10a: {  	v31 =	vadd.s32 v48, v14;
	v14 =	vadd.s32 $0x70, v7;
	[tilespmem:v27+s18+$0x0] =	vst.idx.msk vm3, v23;
	vm3 =	vlt.u32 v25, v0  }
0x10b: {  	(xrf0) =	vadd.scan.msk.s32 $0xffff, v54;
	v62 =	vsel vm2, $0x1, v3;
	v27 =	vadd.s32 v18, v9;
	v9 =	vmpcnt.ones.xlane vm2  }
0x10c: {  	[tilespmem:v42+s18+$0x0] =	vst.idx.msk vm4, v57;
	v23 =	vmpcnt.ones.xlane vm3;
	vm4 =	vlt.u32 v21, v0;
	v22 =	vsub.s32 v28, v1  }
0x10d: {  	v63 =	vsel vm3, $0x1, v3;
	v29 =	vadd.s32 v27, v26;
	[tilespmem:v24+s18+$0x0] =	vst.idx.msk vm5, v59;
	vm5 =	vlt.u32 v20, v0  }
0x10e: {  	v28 =	vadd.s32 v29, v9;
	v9 =	vmpcnt.ones.xlane vm4;
	[tilespmem:v43+s18+$0x0] =	vst.idx.msk vm6, v39;
	v24 =	vmpcnt.ones.xlane vm5  }
0x10f: {  	vm6 =	vlt.u32 v19, v0;
	v26 =	vadd.s32 v28, v23;
	[tilespmem:v30+s18+$0x0] =	vst.idx.msk vm10, v40;
	v30 =	vsel vm7, $0x1, v3  }
0x110: {  	vm10 =	vlt.u32 v22, v0;
	v23 =	vadd.s32 v26, v9;
	v9 =	vmpcnt.ones.xlane vm6;
	(xrf0) =	vadd.scan.msk.s32 $0xffff, v30  }
0x111: {  	v38 =	vsel vm4, $0x1, v3;
	v60 =	vmpcnt.ones.xlane vm10;
	v24 =	vadd.s32 v23, v24;
	(xrf0) =	vadd.scan.msk.s32 $0xffff, v61  }
0x112: {  	v37 =	vsel vm5, $0x1, v3;
	[tilespmem:v31+s18+$0x0] =	vst.idx.msk vm9, v41;
	v31 =	vadd.s32 v24, v9;
	(xrf0) =	vadd.scan.msk.s32 $0xffff, v62  }
0x113: {  	s5 =	simm.s32 $0x208;
	v35 =	vsel vm6, $0x1, v3;
	v32 =	vsel vm10, $0x1, v3;
	v30, _, _ =	vpop (xrf0);
	v9 =	vadd.s32 v31, v60;
	(xrf0) =	vadd.scan.msk.s32 $0xffff, v63  }
.LBB2_6:
0x114: {  	v25 =	vshll.u32 v25, $0xE;
	v21 =	vshll.u32 v21, $0xE  }
0x115: {  	s5 =	sadd.s32 $0x8, s5;
	v20 =	vshll.u32 v20, $0xE;
	s3 =	sadd.s32 $0x80, s3;
	(xrf0) =	vadd.scan.msk.s32 $0xffff, v38;
	vm9 =	vmmov vm1;
	vm1 =	vmmov vm10  }
0x116: {  	v19 =	vshll.u32 v19, $0xE;
	v22 =	vshll.u32 v22, $0xE;
	v30 =	vadd.s32 v8, v30;
	v8 =	vmovc v31;
	v38 =	vld [tilespmem:s3+$0xFFFFFFA0];
	p1 =	slt.u32 s5, $0x2F8;
	(xrf0) =	vadd.scan.msk.s32 $0xffff, v37  }
0x117: {  	v36 =	vor.u32 v7, v36;
	v34 =	vor.u32 v16, v34;
	v33 =	vor.u32 v15, v33;
	v31 =	vld [tilespmem:s3+$0xFFFFFFB0];
	v15, _, _ =	vpop (xrf0);
	(xrf0) =	vadd.scan.msk.s32 $0xffff, v35  }
0x118: {  	v37 =	vor.u32 v13, v25;
	v39 =	vor.u32 v11, v21;
	v35 =	vld [tilespmem:s3+$0xFFFFFFC0];
	v18 =	vadd.s32 v18, v15;
	v11, _, _ =	vpop (xrf0);
	(xrf0) =	vadd.scan.msk.s32 $0xffff, v32  }
0x119: {  	v40 =	vor.u32 v10, v19;
	v32 =	vor.u32 v12, v20;
	v21 =	vld [tilespmem:s3+$0xFFFFFFD0];
	v25 =	vadd.s32 v27, v11;
	v10, _, _ =	vpop (xrf0)  }
0x11a: {  	v7 =	vadd.s32 $0x80, v7;
	v20 =	vor.u32 v14, v22;
	v19 =	vld [tilespmem:s3+$0xFFFFFF90];
	v27 =	vadd.s32 v29, v10;
	v10, _, _ =	vpop (xrf0)  }
0x11b: {  	v16 =	vadd.s32 $0x10, v7;
	v15 =	vadd.s32 $0x20, v7;
	v22 =	vld [tilespmem:s3+$0xFFFFFFE0];
	v28 =	vadd.s32 v28, v10;
	v10, _, _ =	vpop (xrf0);
	[tilespmem:v30+s18+$0x0] =	vst.idx.msk vm9, v17  }
0x11c: {  	v13 =	vadd.s32 $0x30, v7;
	v11 =	vadd.s32 $0x40, v7;
	v29 =	vld [tilespmem:s3+$0xFFFFFFF0];
	v26 =	vadd.s32 v26, v10;
	v14, _, _ =	vpop (xrf0)  }
0x11d: {  	v12 =	vadd.s32 $0x50, v7;
	v10 =	vadd.s32 $0x60, v7;
	v41 =	vld [tilespmem:s3+$0x0];
	[tilespmem:v18+s18+$0x0] =	vst.idx.msk vm7, v36;
	v23 =	vadd.s32 v23, v14;
	v17, _, _ =	vpop (xrf0)  }
0x11e: {  	v42 =	vsub.s32 v38, v1;
	v14 =	vadd.s32 $0x70, v7;
	[tilespmem:v25+s18+$0x0] =	vst.idx.msk vm8, v34;
	v24 =	vadd.s32 v24, v17;
	v30, _, _ =	vpop (xrf0)  }
0x11f: {  	v43 =	vsub.s32 v31, v1;
	v25 =	vsub.s32 v35, v1;
	v17 =	vmovc v20;
	v34 =	vsub.s32 v19, v1  }
0x120: {  	v18 =	vmovc v9;
	v21 =	vsub.s32 v21, v1;
	vm7 =	vlt.u32 v34, v0;
	v20 =	vsub.s32 v22, v1  }
0x121: {  	vm8 =	vlt.u32 v42, v0;
	v31 =	vmpcnt.ones.xlane vm7;
	v19 =	vsub.s32 v29, v1;
	[tilespmem:v27+s18+$0x0] =	vst.idx.msk vm2, v33  }
0x122: {  	v29 =	vmpcnt.ones.xlane vm8;
	vm2 =	vlt.u32 v43, v0;
	v22 =	vsub.s32 v41, v1;
	[tilespmem:v28+s18+$0x0] =	vst.idx.msk vm3, v37  }
0x123: {  	vm3 =	vlt.u32 v25, v0;
	v27 =	vadd.s32 v9, v31;
	v9 =	vmpcnt.ones.xlane vm2;
	[tilespmem:v26+s18+$0x0] =	vst.idx.msk vm4, v39  }
0x124: {  	v26 =	vmpcnt.ones.xlane vm3;
	vm4 =	vlt.u32 v21, v0;
	v29 =	vadd.s32 v27, v29;
	[tilespmem:v23+s18+$0x0] =	vst.idx.msk vm5, v32  }
0x125: {  	vm5 =	vlt.u32 v20, v0;
	v28 =	vadd.s32 v29, v9;
	v9 =	vmpcnt.ones.xlane vm4;
	[tilespmem:v24+s18+$0x0] =	vst.idx.msk vm6, v40  }
0x126: {  	v24 =	vmpcnt.ones.xlane vm5;
	vm6 =	vlt.u32 v19, v0;
	v26 =	vadd.s32 v28, v26  }
0x127: {  	vm10 =	vlt.u32 v22, v0;
	v23 =	vadd.s32 v26, v9;
	v9 =	vmpcnt.ones.xlane vm6  }
.Ltmp4:
0x128: {  	v32 =	vsel vm7, $0x1, v3;
	v33 =	vmpcnt.ones.xlane vm10;
	v24 =	vadd.s32 v23, v24;
	(pc) =	sbr.rel @p1 .LBB2_6-.Ltmp4, $4  }
0x129: {  	v35 =	vsel vm8, $0x1, v3;
	v36 =	vsel vm2, $0x1, v3;
	v31 =	vadd.s32 v24, v9;
	(xrf0) =	vadd.scan.msk.s32 $0xffff, v32  }
0x12a: {  	v39 =	vsel vm3, $0x1, v3;
	v38 =	vsel vm4, $0x1, v3;
	v9 =	vadd.s32 v31, v33;
	(xrf0) =	vadd.scan.msk.s32 $0xffff, v35  }
0x12b: {  	v37 =	vsel vm5, $0x1, v3;
	v32 =	vsel vm10, $0x1, v3;
	v35 =	vsel vm6, $0x1, v3;
	(xrf0) =	vadd.scan.msk.s32 $0xffff, v36  }
0x12c: {  	v33 =	vshll.u32 v43, $0xE;
	v36 =	vshll.u32 v34, $0xE;
	v34 =	vshll.u32 v42, $0xE;
	(xrf0) =	vadd.scan.msk.s32 $0xffff, v39  }
0x12d: {  	(xrf0) =	vadd.scan.msk.s32 $0xffff, v38  }
0x12e: {  	vm1 =	vmmov vm1;
	(xrf0) =	vadd.scan.msk.s32 $0xffff, v37  }
0x12f: {  	v8 =	vadd.s32 v8, v30;
	v30, _, _ =	vpop (xrf0);
	(xrf0) =	vadd.scan.msk.s32 $0xffff, v35  }
0x130: {  	v18 =	vadd.s32 v18, v30;
	v30, _, _ =	vpop (xrf0);
	(xrf0) =	vadd.scan.msk.s32 $0xffff, v32  }
0x131: {  	v27 =	vadd.s32 v27, v30;
	v30, _, _ =	vpop (xrf0)  }
0x132: {  	v29 =	vadd.s32 v29, v30;
	v30, _, _ =	vpop (xrf0)  }
0x133: {  	v28 =	vadd.s32 v28, v30;
	v30, _, _ =	vpop (xrf0)  }
0x134: {  	v25 =	vshll.u32 v25, $0xE;
	v62 =	vor.u32 v7, v36;
	[tilespmem:v8+s18+$0x0] =	vst.idx.msk vm1, v17;
	v8 =	vadd.s32 v26, v30;
	v17, _, _ =	vpop (xrf0)  }
0x135: {  	v16 =	vor.u32 v16, v34;
	vm1 =	vmmov vm10;
	[tilespmem:v18+s18+$0x0] =	vst.idx.msk vm7, v62;
	v17 =	vadd.s32 v23, v17;
	v18, _, _ =	vpop (xrf0)  }
0x136: {  	v15 =	vor.u32 v15, v33;
	vm1 =	vmmov vm1;
	[tilespmem:v27+s18+$0x0] =	vst.idx.msk vm8, v16;
	v16 =	vadd.s32 v24, v18;
	v18, _, _ =	vpop (xrf0)  }
0x137: {  	v21 =	vshll.u32 v21, $0xE;
	v13 =	vor.u32 v13, v25;
	[tilespmem:v29+s18+$0x0] =	vst.idx.msk vm2, v15;
	v15 =	vadd.s32 v31, v18  }
0x138: {  	v11 =	vor.u32 v11, v21;
	v18 =	vshll.u32 v20, $0xE;
	[tilespmem:v28+s18+$0x0] =	vst.idx.msk vm3, v13  }
0x139: {  	v13 =	vshll.u32 v19, $0xE;
	v12 =	vor.u32 v12, v18;
	[tilespmem:v8+s18+$0x0] =	vst.idx.msk vm4, v11  }
0x13a: {  	v8 =	vshll.u32 v22, $0xE;
	v10 =	vor.u32 v10, v13;
	[tilespmem:v17+s18+$0x0] =	vst.idx.msk vm5, v12  }
0x13b: {  	v8 =	vor.u32 v14, v8;
	[tilespmem:v16+s18+$0x0] =	vst.idx.msk vm6, v10  }
0x13c: {  	[tilespmem:v15+s18+$0x0] =	vst.idx.msk vm1, v8  }
0x13d: {  	_ =	swait.ge [sflag:s21], $0x1000  }
0x13e: {  	[sflag:s21] =	ssyncset.done $0x0  }
0x13f: {  	s3 =	simm.s32 $0x3070;
	[sflag:s21] =	ssyncadd.s32 $0xFFFFF000  }
0x140: {  	v8 =	vld [tilespmem:s3+$0xFFFFFFA0]  }
0x141: {  	v10 =	vld [tilespmem:s3+$0xFFFFFFB0]  }
0x142: {  	v11 =	vld [tilespmem:s3+$0xFFFFFFC0]  }
0x143: {  	v12 =	vld [tilespmem:s3+$0xFFFFFFD0]  }
0x144: {  	v13 =	vld [tilespmem:s3+$0xFFFFFF90]  }
0x145: {  	v15 =	vadd.s32 $0x80, v7;
	v7 =	vld [tilespmem:s3+$0xFFFFFFE0]  }
0x146: {  	v14 =	vld [tilespmem:s3+$0xFFFFFFF0]  }
0x147: {  	v21 =	vld [tilespmem:s3+$0x0]  }
0x148: {  	v16 =	vadd.s32 $0x10, v15;
	v17 =	vadd.s32 $0x20, v15;
	v18 =	vadd.s32 $0x30, v15  }
0x149: {  	v19 =	vadd.s32 $0x40, v15;
	v20 =	vadd.s32 $0x50, v15;
	v22 =	vadd.s32 $0x60, v15  }
0x14a: {  	v23 =	vadd.s32 $0x70, v15;
	v8 =	vsub.s32 v8, v1;
	v13 =	vsub.s32 v13, v1  }
0x14b: {  	v10 =	vsub.s32 v10, v1;
	v11 =	vsub.s32 v11, v1;
	v12 =	vsub.s32 v12, v1  }
0x14c: {  	s3 =	simm.s32 $0x30F0;
	v24 =	vsub.s32 v7, v1;
	v25 =	vsub.s32 v14, v1;
	v21 =	vsub.s32 v21, v1  }
0x14d: {  	v53 =	vld [tilespmem:s3+$0xFFFFFFB0];
	vm5 =	vlt.u32 v13, v0;
	vm4 =	vlt.u32 v8, v0;
	vm2 =	vlt.u32 v10, v0  }
0x14e: {  	vm11 =	vlt.u32 v11, v0;
	vm3 =	vlt.u32 v12, v0;
	vm10 =	vlt.u32 v24, v0  }
0x14f: {  	vm9 =	vlt.u32 v25, v0;
	vm1 =	vlt.u32 v21, v0;
	v13 =	vshll.u32 v13, $0xE  }
0x150: {  	v8 =	vshll.u32 v8, $0xE;
	v10 =	vshll.u32 v10, $0xE;
	v11 =	vshll.u32 v11, $0xE  }
0x151: {  	v12 =	vshll.u32 v12, $0xE;
	v24 =	vshll.u32 v24, $0xE;
	v25 =	vshll.u32 v25, $0xE  }
0x152: {  	v21 =	vshll.u32 v21, $0xE;
	v45 =	vsub.s32 v53, v1;
	v7 =	vmpcnt.ones.xlane vm5  }
0x153: {  	v57 =	vld [tilespmem:s3+$0xFFFFFFC0];
	v14 =	vmpcnt.ones.xlane vm4;
	v31 =	vsel vm5, $0x1, v3;
	v47 =	vsel vm4, $0x1, v3  }
0x154: {  	v48 =	vsel vm2, $0x1, v3;
	v49 =	vsel vm3, $0x1, v3;
	v50 =	vsel vm10, $0x1, v3  }
0x155: {  	v51 =	vsel vm9, $0x1, v3;
	v52 =	vsel vm1, $0x1, v3;
	v40 =	vor.u32 v18, v11;
	v18 =	vld [tilespmem:s3+$0xFFFFFFD0]  }
0x156: {  	v54 =	vor.u32 v15, v13;
	v55 =	vor.u32 v16, v8;
	v41 =	vor.u32 v19, v12;
	v19 =	vld [tilespmem:s3+$0xFFFFFF90]  }
0x157: {  	v56 =	vor.u32 v17, v10;
	v42 =	vor.u32 v20, v24;
	v43 =	vor.u32 v22, v25;
	v20 =	vld [tilespmem:s3+$0xFFFFFFE0]  }
0x158: {  	v17 =	vor.u32 v23, v21;
	v25 =	vld [tilespmem:s3+$0xFFFFFFF0];
	v24 =	vsub.s32 v57, v1;
	vm6 =	vlt.u32 v45, v0  }
0x159: {  	v32 =	vshll.u32 v45, $0xE;
	(xrf0) =	vadd.scan.msk.s32 $0xffff, v31;
	v26 =	vadd.s32 v9, v7;
	v7 =	vmpcnt.ones.xlane vm2  }
0x15a: {  	v31 =	vsel vm11, $0x1, v3;
	(xrf0) =	vadd.scan.msk.s32 $0xffff, v47;
	v27 =	vadd.s32 v26, v14;
	v14 =	vmpcnt.ones.xlane vm11  }
0x15b: {  	v62 =	vsel vm6, $0x1, v3;
	(xrf0) =	vadd.scan.msk.s32 $0xffff, v48;
	v28 =	vadd.s32 v27, v7;
	v7 =	vmpcnt.ones.xlane vm3  }
0x15c: {  	v29 =	vadd.s32 v28, v14;
	v14 =	vmpcnt.ones.xlane vm10;
	v58 =	vsub.s32 v19, v1  }
0x15d: {  	(xrf0) =	vadd.scan.msk.s32 $0xffff, v31;
	v31 =	vld [tilespmem:s3+$0xFFFFFFA0];
	v21 =	vsub.s32 v18, v1;
	v20 =	vsub.s32 v20, v1;
	v18 =	vsub.s32 v25, v1  }
0x15e: {  	v30 =	vadd.s32 v29, v7;
	v7 =	vmpcnt.ones.xlane vm9;
	vm7 =	vlt.u32 v58, v0  }
0x15f: {  	(xrf0) =	vadd.scan.msk.s32 $0xffff, v49;
	v34 =	vshll.u32 v58, $0xE;
	v63 =	vadd.s32 v30, v14;
	v14 =	vmpcnt.ones.xlane vm1;
	v8, _, _ =	vpop (xrf0)  }
0x160: {  	(xrf0) =	vadd.scan.msk.s32 $0xffff, v50;
	vm1 =	vmmov vm1;
	v7 =	vadd.s32 v63, v7;
	v39 =	vadd.s32 v9, v8;
	v8, _, _ =	vpop (xrf0)  }
0x161: {  	(xrf0) =	vadd.scan.msk.s32 $0xffff, v51;
	v60 =	vsel vm7, $0x1, v3;
	v14 =	vadd.s32 v7, v14;
	v26 =	vadd.s32 v26, v8;
	v8, _, _ =	vpop (xrf0)  }
0x162: {  	v44 =	vsub.s32 v31, v1;
	v22 =	vadd.s32 v27, v8;
	v8 =	vadd.s32 $0x80, v15  }
0x163: {  	v9, _, _ =	vpop (xrf0);
	vm8 =	vlt.u32 v44, v0;
	v33 =	vshll.u32 v44, $0xE;
	v16 =	vadd.s32 $0x10, v8  }
0x164: {  	v27 =	vld [tilespmem:s3+$0x0];
	v15 =	vadd.s32 $0x20, v8;
	v23 =	vadd.s32 v28, v9;
	v13 =	vadd.s32 $0x30, v8  }
0x165: {  	v9, _, _ =	vpop (xrf0);
	v12 =	vadd.s32 $0x40, v8;
	v11 =	vadd.s32 $0x50, v8;
	v28 =	vmpcnt.ones.xlane vm7  }
0x166: {  	(xrf0) =	vadd.scan.msk.s32 $0xffff, v52;
	v59 =	vmpcnt.ones.xlane vm8;
	v61 =	vsel vm8, $0x1, v3;
	v29 =	vadd.s32 v29, v9;
	v10, _, _ =	vpop (xrf0)  }
0x167: {  	(xrf0) =	vadd.scan.msk.s32 $0xffff, v60;
	v30 =	vadd.s32 v30, v10;
	v10, _, _ =	vpop (xrf0);
	[tilespmem:v39+s18+$0x0] =	vst.idx.msk vm5, v54;
	v25 =	vadd.s32 v14, v28  }
0x168: {  	v9 =	vadd.s32 $0x60, v8;
	vm5 =	vlt.u32 v24, v0;
	v31 =	vadd.s32 v63, v10;
	[tilespmem:v26+s18+$0x0] =	vst.idx.msk vm4, v55  }
0x169: {  	v26 =	vmpcnt.ones.xlane vm6;
	vm4 =	vlt.u32 v21, v0;
	v19 =	vsub.s32 v27, v1;
	[tilespmem:v22+s18+$0x0] =	vst.idx.msk vm2, v56  }
0x16a: {  	v27 =	vadd.s32 v25, v59;
	v22 =	vmpcnt.ones.xlane vm5;
	vm2 =	vlt.u32 v20, v0;
	[tilespmem:v23+s18+$0x0] =	vst.idx.msk vm11, v40  }
0x16b: {  	v28 =	vadd.s32 v27, v26;
	v23 =	vmpcnt.ones.xlane vm4;
	[tilespmem:v29+s18+$0x0] =	vst.idx.msk vm3, v41;
	vm3 =	vlt.u32 v18, v0  }
0x16c: {  	v26 =	vadd.s32 v28, v22;
	v29 =	vmpcnt.ones.xlane vm2;
	[tilespmem:v30+s18+$0x0] =	vst.idx.msk vm10, v42;
	v30 =	vmpcnt.ones.xlane vm3  }
0x16d: {  	(xrf0) =	vadd.scan.msk.s32 $0xffff, v61;
	v10 =	vadd.s32 $0x70, v8;
	v22 =	vadd.s32 v26, v23;
	vm10 =	vlt.u32 v19, v0  }
0x16e: {  	(xrf0) =	vadd.scan.msk.s32 $0xffff, v62;
	v63 =	vsel vm5, $0x1, v3;
	v23 =	vadd.s32 v22, v29;
	v29 =	vmpcnt.ones.xlane vm10  }
0x16f: {  	v38 =	vsel vm4, $0x1, v3;
	v37 =	vsel vm2, $0x1, v3;
	[tilespmem:v31+s18+$0x0] =	vst.idx.msk vm9, v43;
	v31 =	vadd.s32 v23, v30  }
0x170: {  	s5 =	simm.s32 $0x308;
	v36 =	vsel vm3, $0x1, v3;
	v35 =	vsel vm10, $0x1, v3;
	v29 =	vadd.s32 v31, v29;
	v30, _, _ =	vpop (xrf0);
	(xrf0) =	vadd.scan.msk.s32 $0xffff, v63  }
.LBB2_8:
0x171: {  	v24 =	vshll.u32 v24, $0xE;
	v21 =	vshll.u32 v21, $0xE  }
0x172: {  	s5 =	sadd.s32 $0x8, s5;
	v20 =	vshll.u32 v20, $0xE;
	s3 =	sadd.s32 $0x80, s3;
	(xrf0) =	vadd.scan.msk.s32 $0xffff, v38;
	vm9 =	vmmov vm1;
	vm1 =	vmmov vm10  }
0x173: {  	v18 =	vshll.u32 v18, $0xE;
	v19 =	vshll.u32 v19, $0xE;
	v30 =	vadd.s32 v7, v30;
	v7 =	vmovc v31;
	v38 =	vld [tilespmem:s3+$0xFFFFFFA0];
	p1 =	slt.u32 s5, $0x3F8;
	(xrf0) =	vadd.scan.msk.s32 $0xffff, v37  }
0x174: {  	v34 =	vor.u32 v8, v34;
	v33 =	vor.u32 v16, v33;
	v32 =	vor.u32 v15, v32;
	v31 =	vld [tilespmem:s3+$0xFFFFFFB0];
	v15, _, _ =	vpop (xrf0);
	(xrf0) =	vadd.scan.msk.s32 $0xffff, v36  }
0x175: {  	v37 =	vor.u32 v13, v24;
	v39 =	vor.u32 v12, v21;
	v36 =	vld [tilespmem:s3+$0xFFFFFFC0];
	v14 =	vadd.s32 v14, v15;
	v12, _, _ =	vpop (xrf0);
	(xrf0) =	vadd.scan.msk.s32 $0xffff, v35  }
0x176: {  	v40 =	vor.u32 v9, v18;
	v35 =	vor.u32 v11, v20;
	v21 =	vld [tilespmem:s3+$0xFFFFFFD0];
	v24 =	vadd.s32 v25, v12;
	v9, _, _ =	vpop (xrf0)  }
0x177: {  	v8 =	vadd.s32 $0x80, v8;
	v19 =	vor.u32 v10, v19;
	v18 =	vld [tilespmem:s3+$0xFFFFFF90];
	v25 =	vadd.s32 v27, v9;
	v9, _, _ =	vpop (xrf0)  }
0x178: {  	v16 =	vadd.s32 $0x10, v8;
	v15 =	vadd.s32 $0x20, v8;
	v20 =	vld [tilespmem:s3+$0xFFFFFFE0];
	v27 =	vadd.s32 v28, v9;
	v9, _, _ =	vpop (xrf0);
	[tilespmem:v30+s18+$0x0] =	vst.idx.msk vm9, v17  }
0x179: {  	v13 =	vadd.s32 $0x30, v8;
	v12 =	vadd.s32 $0x40, v8;
	v28 =	vld [tilespmem:s3+$0xFFFFFFF0];
	v26 =	vadd.s32 v26, v9;
	v10, _, _ =	vpop (xrf0)  }
0x17a: {  	v11 =	vadd.s32 $0x50, v8;
	v9 =	vadd.s32 $0x60, v8;
	v41 =	vld [tilespmem:s3+$0x0];
	[tilespmem:v14+s18+$0x0] =	vst.idx.msk vm7, v34;
	v22 =	vadd.s32 v22, v10;
	v14, _, _ =	vpop (xrf0)  }
0x17b: {  	v42 =	vsub.s32 v38, v1;
	v10 =	vadd.s32 $0x70, v8;
	[tilespmem:v24+s18+$0x0] =	vst.idx.msk vm8, v33;
	v23 =	vadd.s32 v23, v14;
	v30, _, _ =	vpop (xrf0)  }
0x17c: {  	v17 =	vmovc v19;
	v43 =	vsub.s32 v31, v1;
	v24 =	vsub.s32 v36, v1;
	v33 =	vsub.s32 v18, v1  }
0x17d: {  	v21 =	vsub.s32 v21, v1;
	v14 =	vmovc v29;
	vm7 =	vlt.u32 v33, v0;
	v20 =	vsub.s32 v20, v1  }
0x17e: {  	vm8 =	vlt.u32 v42, v0;
	v31 =	vmpcnt.ones.xlane vm7;
	v18 =	vsub.s32 v28, v1;
	[tilespmem:v25+s18+$0x0] =	vst.idx.msk vm6, v32  }
0x17f: {  	v28 =	vmpcnt.ones.xlane vm8;
	vm6 =	vlt.u32 v43, v0;
	v19 =	vsub.s32 v41, v1;
	[tilespmem:v27+s18+$0x0] =	vst.idx.msk vm5, v37  }
0x180: {  	vm5 =	vlt.u32 v24, v0;
	v25 =	vadd.s32 v29, v31;
	v29 =	vmpcnt.ones.xlane vm6;
	[tilespmem:v26+s18+$0x0] =	vst.idx.msk vm4, v39  }
0x181: {  	v26 =	vmpcnt.ones.xlane vm5;
	vm4 =	vlt.u32 v21, v0;
	v27 =	vadd.s32 v25, v28;
	[tilespmem:v22+s18+$0x0] =	vst.idx.msk vm2, v35  }
0x182: {  	v22 =	vmpcnt.ones.xlane vm4;
	vm2 =	vlt.u32 v20, v0;
	v28 =	vadd.s32 v27, v29;
	[tilespmem:v23+s18+$0x0] =	vst.idx.msk vm3, v40  }
0x183: {  	v23 =	vmpcnt.ones.xlane vm2;
	vm3 =	vlt.u32 v18, v0;
	v26 =	vadd.s32 v28, v26  }
0x184: {  	vm10 =	vlt.u32 v19, v0;
	v29 =	vmpcnt.ones.xlane vm3;
	v22 =	vadd.s32 v26, v22  }
.Ltmp5:
0x185: {  	v32 =	vsel vm7, $0x1, v3;
	v34 =	vmpcnt.ones.xlane vm10;
	v23 =	vadd.s32 v22, v23;
	(pc) =	sbr.rel @p1 .LBB2_8-.Ltmp5, $4  }
0x186: {  	v39 =	vsel vm6, $0x1, v3;
	v35 =	vsel vm8, $0x1, v3;
	v31 =	vadd.s32 v23, v29;
	(xrf0) =	vadd.scan.msk.s32 $0xffff, v32  }
0x187: {  	v38 =	vsel vm4, $0x1, v3;
	v40 =	vsel vm5, $0x1, v3;
	v29 =	vadd.s32 v31, v34;
	(xrf0) =	vadd.scan.msk.s32 $0xffff, v35  }
0x188: {  	v37 =	vsel vm2, $0x1, v3;
	v36 =	vsel vm3, $0x1, v3;
	v35 =	vsel vm10, $0x1, v3;
	(xrf0) =	vadd.scan.msk.s32 $0xffff, v39  }
0x189: {  	v32 =	vshll.u32 v43, $0xE;
	v34 =	vshll.u32 v33, $0xE;
	v33 =	vshll.u32 v42, $0xE;
	(xrf0) =	vadd.scan.msk.s32 $0xffff, v40  }
0x18a: {  	(xrf0) =	vadd.scan.msk.s32 $0xffff, v38  }
0x18b: {  	(xrf0) =	vadd.scan.msk.s32 $0xffff, v37  }
0x18c: {  	v53, _, _ =	vpop (xrf0);
	(xrf0) =	vadd.scan.msk.s32 $0xffff, v36  }
0x18d: {  	v29 =	vxor.u32 $0x80000000, v29;
	v54, _, _ =	vpop (xrf0);
	(xrf0) =	vadd.scan.msk.s32 $0xffff, v35  }
0x18e: {  	v55, _, _ =	vpop (xrf0);
	(xrf0) =	vmax.scan.msk.u32 $0xffff, v29  }
0x18f: {  	v56, _, _ =	vpop (xrf0)  }
0x190: {  	v38, _, _ =	vpop (xrf0)  }
0x191: {  	v39, _, _ =	vpop (xrf0)  }
0x192: {  	v40, _, _ =	vpop (xrf0)  }
0x193: {  	v41, _, _ =	vpop (xrf0)  }
0x194: {  	v42, _, _ =	vpop (xrf0)  }
0x195: {  	(v2sf) =	vpush v42, $0xF;
	_ =	sdelay $0xc  }
0x196: {  	vm1 =	vmmov vm1  }
0x197: {  	v7 =	vadd.s32 v7, v30  }
0x198: {  	v14 =	vadd.s32 v14, v53;
	s3 =	spop (v2sf)  }
0x199: {  	v25 =	vadd.s32 v25, v54;
	s5 =	sadd.s32 $0x80000001, s3  }
0x19a: {  	v27 =	vadd.s32 v27, v55;
	s7 =	sadd.s32 $0x80000010, s3;
	s3 =	sand.u32 $0xF, s3  }
0x19b: {  	v8 =	vor.u32 v8, v34;
	v28 =	vadd.s32 v28, v56;
	s8 =	sshra.s32 s7, $0x1F;
	p1 =	slt.s32 s7, $0x1;
	p2 =	sne.s32 s3, $0x0  }
0x19c: {  	v24 =	vshll.u32 v24, $0xE;
	v16 =	vor.u32 v16, v33;
	[tilespmem:v7+s18+$0x0] =	vst.idx.msk vm1, v17;
	v7 =	vadd.s32 v26, v38;
	s15 =	sshrl.u32 s8, $0x1C;
	p1 =	por !p1, !p2  }
0x19d: {  	vm1 =	vmmov vm10;
	[tilespmem:v14+s18+$0x0] =	vst.idx.msk vm7, v8;
	v8 =	vadd.s32 v22, v39;
	v62 =	vadd.s32 s5, v4;
	s5 =	simm.s32 $0x1;
	s3 =	sadd.s32 s15, s7;
	p1 =	por !p1, !p1  }
0x19e: {  	v57 =	vor.u32 v15, v32;
	vm1 =	vmmov vm1;
	[tilespmem:v25+s18+$0x0] =	vst.idx.msk vm8, v16;
	v58 =	vadd.s32 v23, v40;
	s3 =	sshra.s32 s3, $0x4;
	s5 =	simm.s32 @!p1 $0x0  }
0x19f: {  	v59 =	vshll.u32 v21, $0xE;
	v13 =	vor.u32 v13, v24;
	[tilespmem:v27+s18+$0x0] =	vst.idx.msk vm6, v57;
	v60 =	vadd.s32 v31, v41;
	s3 =	ssub.s32 s3, s5  }
0x1a0: {  	v61 =	vshll.u32 v20, $0xE;
	v12 =	vor.u32 v12, v59;
	[tilespmem:v28+s18+$0x0] =	vst.idx.msk vm5, v13;
	p1 =	slt.s32 s3, $0x1  }
.Ltmp6:
0x1a1: {  	v63 =	vshll.u32 v18, $0xE;
	v11 =	vor.u32 v11, v61;
	[tilespmem:v7+s18+$0x0] =	vst.idx.msk vm4, v12;
	(pc) =	sbr.rel @p1 .LBB2_13-.Ltmp6, $4  }
0x1a2: {  	v9 =	vor.u32 v9, v63;
	v7 =	vshll.u32 v19, $0xE;
	[tilespmem:v8+s18+$0x0] =	vst.idx.msk vm2, v11  }
0x1a3: {  	v7 =	vor.u32 v10, v7;
	[tilespmem:v58+s18+$0x0] =	vst.idx.msk vm3, v9  }
0x1a4: {  	[tilespmem:v60+s18+$0x0] =	vst.idx.msk vm1, v7;
	s5 =	simm.s32 $0x8C80  }
0x1a5: {  	[tilespmem:v62+s5+$0x0] =	vst.idx.msk $0xffff, v5  }
0x1a6: {  	v7 =	vld [tilespmem:s5+$0x0];
	_ =	sdelay $0x4  }
0x1a7: {  	(xrf1) =	vsort.ascd.msk.u32 $0xffff, v7, v7;
	_ =	sdelay $0xd  }
0x1a8: {  	v8, _, _ =	vpop (xrf1)  }
0x1a9: {  	[tilespmem:$0x13980] =	vst v8  }
0x1aa: {  	v9 =	vld.idx.msk [tilespmem:v6+s22+$0x0], $0xffff;
	_ =	sdelay $0x4  }
0x1ab: {  	v7 =	vshrl.u32 v8, $0xE;
	v9 =	vshrl.u32 v9, $0xE  }
0x1ac: {  	vm1 =	vne.s32 v7, v9  }
0x1ad: {  	vm2 =	vlt.u32 v7, v0;
	vm1 =	vmor vm1, vm0  }
0x1ae: {  	p1 =	sne.s32 s3, $0x1;
	vm1 =	vmand vm2, vm1  }
.Ltmp7:
0x1af: {  	_ = 	snop;
	(pc) =	sbr.rel @!p1 .LBB2_12-.Ltmp7, $2  }
0x1b0: {  	_ =	sdelay $0x2  }
0x1b1: {  	s7 =	sadd.s32 $0xFFFFFFFF, s3;
	v8 =	vand.u32 $0x3FFF, v8  }
.LBB2_11:
0x1b2: {  	p1 =	sne.s32 s7, $0x1;
	s7 =	sadd.s32 $0xFFFFFFFF, s7;
	[tilespmem:v7+s23+$0x0] =	vst.idx.msk vm1, v8;
	s5 =	sadd.s32 $0x10, s5  }
0x1b3: {  	v7 =	vld [tilespmem:s5+$0x0];
	_ =	sdelay $0x4  }
0x1b4: {  	(xrf1) =	vsort.ascd.msk.u32 $0xffff, v7, v7;
	_ =	sdelay $0xd  }
0x1b5: {  	v8, _, _ =	vpop (xrf1)  }
0x1b6: {  	[tilespmem:$0x13980] =	vst v8  }
0x1b7: {  	v9 =	vld.idx.msk [tilespmem:v6+s22+$0x0], $0xffff;
	_ =	sdelay $0x5  }
0x1b8: {  	v7 =	vshrl.u32 v8, $0xE;
	v9 =	vshrl.u32 v9, $0xE  }
0x1b9: {  	vm1 =	vne.s32 v7, v9  }
0x1ba: {  	vm2 =	vlt.u32 v7, v0;
	vm1 =	vmor vm1, vm0  }
0x1bb: {  	vm1 =	vmand vm2, vm1  }
.Ltmp8:
0x1bc: {  	(pc) =	sbr.rel @p1 .LBB2_11-.Ltmp8, $2  }
0x1bd: {  	_ =	sdelay $0x2  }
0x1be: {  	v8 =	vand.u32 $0x3FFF, v8  }
.LBB2_12:
0x1bf: {  	_ =	sdelay $0x4  }
0x1c0: {  	[tilespmem:v7+s23+$0x0] =	vst.idx.msk vm1, v8  }
.LBB2_13:
0x1c1: {  	_ =	swait.ge [sflag:s24], $0x4000;
	s7 =	sshrl.u32 s3, $0x1E  }
0x1c2: {  	[sflag:s24] =	ssyncset.done $0x0;
	s7 =	sadd.s32 s7, s3  }
0x1c3: {  	s5 =	simm.s32 @p0 $0x6;
	[sflag:s24] =	ssyncadd.s32 $0xFFFFC000;
	s13 =	sand.u32 $0xFFFFFFFC, s7  }
0x1c4: {  	_ =	swait.ge @p0 [sflag:s5], $0xBD8;
	p1 =	slt.s32 s13, $0x1  }
.Ltmp9:
0x1c5: {  	[sflag:s5] =	ssyncset.done @p0 $0x0;
	(pc) =	sbr.rel @p1 .LBB2_14-.Ltmp9, $4  }
0x1c6: {  	[sflag:s5] =	ssyncadd.s32 @p0 $0xFFFFF428;
	s5 =	simm.s32 @!p0 $0x6  }
0x1c7: {  	_ =	swait.ge @!p0 [sflag:s5], $0xC38  }
0x1c8: {  	[sflag:s5] =	ssyncset.done @!p0 $0x0  }
0x1c9: {  	[sflag:s5] =	ssyncadd.s32 @!p0 $0xFFFFF3C8  }
0x1ca: {  	s15 =	simm.s32 $0x8CA0  }
0x1cb: {  	v8 =	vld [tilespmem:s15+$0xFFFFFFE0]  }
0x1cc: {  	p3 =	sgt.s32 s13, $0x4  }
.Ltmp10:
0x1cd: {  	_ = 	snop;
	(pc) =	sbr.rel @!p3 .LBB2_25-.Ltmp10, $3  }
0x1ce: {  	_ =	sdelay $0x1  }
0x1cf: {  	v33 =	vld [tilespmem:s15+$0xFFFFFFF0];
	v7 =	vshrl.u32 v8, $0xE  }
0x1d0: {  	s14 =	simm.s32 $0x0;
	p1 =	por $0x0, $0x0;
	p2 =	por $0x0, $0x0;
	v29 =	vld [tilespmem:s15+$0x0];
	v9 =	vand.u32 $0x3FFF, v8;
	vm7 =	vlt.u32 v7, v0;
	v35 =	vmin.u32 v7, v2  }
0x1d1: {  	_ =	sdelay $0x3  }
0x1d2: {  	v14 =	vld.idx.msk [tilespmem:v9+s16+$0x0], $0xffff;
	v8 =	vshrl.u32 v33, $0xE;
	v12 =	vand.u32 $0x3FFF, v33  }
0x1d3: {  	v15 =	vld.idx.msk [tilespmem:v35+s25+$0x0], vm7;
	vm1 =	vlt.u32 v8, v0;
	v10 =	vand.u32 $0x3FFF, v29  }
0x1d4: {  	v16 =	vld.idx.msk [tilespmem:v35+s23+$0x0], vm7;
	v13 =	vmin.u32 v8, v2;
	v11 =	vshrl.u32 v29, $0xE  }
0x1d5: {  	v19 =	vld [tilespmem:s15+$0x10];
	s15 =	simm.s32 $0x8CE0;
	vm2 =	vlt.u32 v11, v0  }
0x1d6: {  	v22 =	vld [tilespmem:s15+$0xFFFFFFE0];
	v17 =	vmin.u32 v11, v2  }
0x1d7: {  	v18 =	vld.idx.msk [tilespmem:v12+s16+$0x0], $0xffff  }
0x1d8: {  	vm3 =	vgt.f32 v14, $8.500000230e-01;
	vm4 =	vgt.f32 v14, v15;
	v15 =	vld.idx.msk [tilespmem:v10+s16+$0x0], $0xffff  }
0x1d9: {  	vm3 =	vmand vm3, vm4;
	vm4 =	veq.s32 v16, v9;
	v14 =	vld.idx.msk [tilespmem:v13+s25+$0x0], vm1  }
0x1da: {  	vm3 =	vmand vm3, vm4;
	v20 =	vld.idx.msk [tilespmem:v13+s23+$0x0], vm1  }
0x1db: {  	vm3 =	vmand vm7, vm3;
	v21 =	vld.idx.msk [tilespmem:v17+s25+$0x0], vm2  }
0x1dc: {  	v16 =	vsel vm3, $0x1, v3;
	v13 =	vshrl.u32 v19, $0xE;
	v17 =	vld.idx.msk [tilespmem:v17+s23+$0x0], vm2  }
0x1dd: {  	(xrf0) =	vadd.scan.msk.s32 $0xffff, v16;
	v16 =	vand.u32 $0x3FFF, v19;
	vm9 =	vlt.u32 v13, v0  }
0x1de: {  	p3 =	sgt.s32 s13, $0x8;
	v27 =	vmin.u32 v13, v2;
	vm4 =	vgt.f32 v18, $8.500000230e-01;
	vm6 =	vgt.f32 v18, v14  }
.Ltmp11:
0x1df: {  	vm5 =	veq.s32 v20, v12;
	v20 =	vshrl.u32 v22, $0xE;
	vm4 =	vmand vm4, vm6;
	(pc) =	sbr.rel @!p3 .LBB2_27-.Ltmp11, $4  }
0x1e0: {  	v33 =	vld [tilespmem:s15+$0xFFFFFFF0];
	vm6 =	vgt.f32 v15, $8.500000230e-01;
	vm7 =	vgt.f32 v15, v21;
	vm4 =	vmand vm4, vm5  }
0x1e1: {  	v29 =	vld [tilespmem:s15+$0x0];
	vm6 =	vmand vm6, vm7;
	vm7 =	veq.s32 v17, v10;
	vm5 =	vmand vm1, vm4  }
0x1e2: {  	v38 =	vld.idx.msk [tilespmem:v16+s16+$0x0], $0xffff;
	v21 =	vand.u32 $0x3FFF, v22;
	vm1 =	vmand vm6, vm7;
	v14 =	vsel vm5, $0x1, v3  }
0x1e3: {  	p1 =	por $0x1, $0x1;
	v15, _, _ =	vpop (xrf0);
	v35 =	vmin.u32 v20, v2;
	v34 =	vld.idx.msk [tilespmem:v27+s25+$0x0], vm9;
	vm7 =	vlt.u32 v20, v0;
	vm6 =	vmand vm2, vm1;
	(xrf0) =	vadd.scan.msk.s32 $0xffff, v14  }
0x1e4: {  	v14 =	vsel vm6, $0x1, v3  }
0x1e5: {  	(xrf0) =	vadd.scan.msk.s32 $0xffff, v14;
	_ =	sdelay $0x2  }
0x1e6: {  	v19 =	vld.idx.msk [tilespmem:v21+s16+$0x0], $0xffff;
	v26 =	vshrl.u32 v33, $0xE  }
0x1e7: {  	v23 =	vand.u32 $0x3FFF, v33;
	v14 =	vld.idx.msk [tilespmem:v27+s23+$0x0], vm9;
	vm8 =	vlt.u32 v26, v0  }
0x1e8: {  	(v2sf) =	vpush v15, $0xF;
	v27 =	vld.idx.msk [tilespmem:v35+s25+$0x0], vm7;
	v22 =	vmin.u32 v26, v2;
	v17, _, _ =	vpop (xrf0)  }
0x1e9: {  	(v2sf) =	vpush v17, $0xF;
	v18, _, _ =	vpop (xrf0)  }
0x1ea: {  	v31 =	vld [tilespmem:s15+$0x10];
	v25 =	vshrl.u32 v29, $0xE;
	v24 =	vand.u32 $0x3FFF, v29;
	(v2sf) =	vpush v18, $0xF  }
0x1eb: {  	v28 =	vld.idx.msk [tilespmem:v35+s23+$0x0], vm7;
	vm11 =	vmmov vm5;
	vm10 =	vlt.u32 v25, v0  }
0x1ec: {  	v30 =	vmin.u32 v25, v2;
	vm2 =	vgt.f32 v38, $8.500000230e-01;
	vm1 =	vgt.f32 v38, v34;
	v29 =	vld.idx.msk [tilespmem:v23+s16+$0x0], $0xffff  }
0x1ed: {  	vm1 =	vmand vm2, vm1;
	vm2 =	veq.s32 v14, v16;
	vm5 =	vgt.f32 v19, v27;
	v32 =	vld.idx.msk [tilespmem:v22+s25+$0x0], vm8  }
0x1ee: {  	vm1 =	vmand vm1, vm2;
	vm2 =	vmmov vm3;
	vm3 =	vgt.f32 v19, $8.500000230e-01;
	v22 =	vld.idx.msk [tilespmem:v22+s23+$0x0], vm8  }
0x1ef: {  	s15 =	simm.s32 $0x8D20;
	v14 =	vand.u32 $0x3FFF, v31;
	v19 =	vld.idx.msk [tilespmem:v24+s16+$0x0], $0xffff;
	vm3 =	vmand vm3, vm5;
	vm1 =	vmand vm9, vm1  }
0x1f0: {  	vm5 =	veq.s32 v28, v21;
	v28 =	vshrl.u32 v31, $0xE;
	v31 =	vld [tilespmem:s15+$0xFFFFFFE0];
	v27 =	vsel vm1, $0x1, v3  }
0x1f1: {  	vm4 =	vmmov vm6;
	v62 =	vld.idx.msk [tilespmem:v30+s25+$0x0], vm10;
	vm3 =	vmand vm3, vm5;
	vm9 =	vlt.u32 v28, v0;
	(xrf0) =	vadd.scan.msk.s32 $0xffff, v27  }
0x1f2: {  	v30 =	vld.idx.msk [tilespmem:v30+s23+$0x0], vm10;
	vm3 =	vmand vm7, vm3;
	vm6 =	vgt.f32 v29, $8.500000230e-01;
	vm5 =	vgt.f32 v29, v32  }
0x1f3: {  	v29 =	vsel vm3, $0x1, v3;
	vm7 =	veq.s32 v22, v23;
	vm5 =	vmand vm6, vm5  }
0x1f4: {  	v27 =	vmin.u32 v28, v2;
	v22 =	vadd.s32 v1, v7;
	(xrf0) =	vadd.scan.msk.s32 $0xffff, v29;
	vm5 =	vmand vm5, vm7  }
0x1f5: {  	p3 =	sgt.s32 s13, $0xC;
	v7 =	vshrl.u32 v31, $0xE;
	vm6 =	vgt.f32 v19, $8.500000230e-01;
	vm5 =	vmand vm8, vm5  }
.Ltmp12:
0x1f6: {  	v33 =	vld [tilespmem:s15+$0xFFFFFFF0];
	v35 =	vmin.u32 v7, v2;
	vm7 =	vgt.f32 v19, v62;
	v63 =	vsel vm5, $0x1, v3;
	(pc) =	sbr.rel @!p3 .LBB2_29-.Ltmp12, $4  }
0x1f7: {  	v19 =	vmov s14;
	s5 =	spop (v2sf);
	vm8 =	veq.s32 v30, v24;
	vm6 =	vmand vm6, vm7;
	v30, _, _ =	vpop (xrf0);
	(xrf0) =	vadd.scan.msk.s32 $0xffff, v63  }
0x1f8: {  	v38 =	vld.idx.msk [tilespmem:v14+s16+$0x0], $0xffff;
	v19 =	vadd.s32 $0xFFFFFFFF, v19;
	s7 =	sadd.s32 $0x0, s5;
	vm7 =	vlt.u32 v7, v0;
	vm6 =	vmand vm6, vm8;
	s9 =	spop (v2sf)  }
0x1f9: {  	v29 =	vld [tilespmem:s15+$0x0];
	v32 =	vbroadcast v19, $0x0;
	vm8 =	vmmov vm11;
	(v2sf) =	vpush v30, $0xF;
	s5 =	sadd.s32 s7, s9;
	s9 =	spop (v2sf)  }
0x1fa: {  	s8 =	simm.s32 $0xC;
	p2 =	por $0x1, $0x1;
	v34 =	vld.idx.msk [tilespmem:v27+s25+$0x0], vm9;
	v19 =	vand.u32 $0x3FFF, v31;
	vm6 =	vmand vm10, vm6;
	v31, _, _ =	vpop (xrf0);
	v39 =	vmov s5;
	s5 =	sadd.s32 s5, s9  }
.LBB2_30:
0x1fb: {  	s8 =	sadd.s32 $0x4, s8;
	v36 =	vshrl.u32 v33, $0xE;
	(v2sf) =	vpush v31, $0xF;
	v37 =	vmov s7  }
0x1fc: {  	v40 =	vsel vm6, $0x1, v3;
	v32 =	vadd.s32 v15, v32;
	v15 =	vmovc v31;
	p3 =	slt.s32 s8, s13;
	v37 =	vadd.s32 $0xFFFFFFFF, v37  }
0x1fd: {  	v31 =	vand.u32 $0x3FFF, v33;
	v39 =	vadd.s32 $0xFFFFFFFF, v39;
	v27 =	vld.idx.msk [tilespmem:v27+s23+$0x0], vm9;
	v33, _, _ =	vpop (xrf0);
	(xrf0) =	vadd.scan.msk.s32 $0xffff, v40;
	v37 =	vbroadcast v37, $0x0  }
0x1fe: {  	v42 =	vmov s5;
	v41 =	vshrl.u32 v29, $0xE;
	v40 =	vmin.u32 v36, v2  }
0x1ff: {  	vm11 =	vlt.u32 v36, v0;
	vm10 =	vlt.u32 v41, v0;
	vm12 =	vgt.f32 v38, v34;
	v43 =	vld.idx.msk [tilespmem:v19+s16+$0x0], $0xffff  }
0x200: {  	v29 =	vand.u32 $0x3FFF, v29;
	v42 =	vadd.s32 $0xFFFFFFFF, v42;
	v44 =	vmin.u32 v41, v2;
	v34 =	vld.idx.msk [tilespmem:v35+s25+$0x0], vm7  }
0x201: {  	vm13 =	vgt.f32 v38, $8.500000230e-01;
	v38 =	vbroadcast v39, $0x0;
	v39 =	vbroadcast v42, $0x0;
	[tilespmem:v32+s26+$0x0] =	vst.idx.msk vm2, v9;
	v9 =	vmovc v21;
	v21 =	vmovc v19  }
0x202: {  	vm12 =	vmand vm13, vm12;
	v19 =	vld.idx.msk [tilespmem:v35+s23+$0x0], vm7;
	[tilespmem:v32+s28+$0x0] =	vst.idx.msk vm2, v22;
	v22 =	vadd.s32 v17, v37;
	v17 =	vmov v33  }
0x203: {  	v30 =	vadd.s32 v30, v39;
	vm2 =	veq.s32 v27, v14;
	v32 =	vld.idx.msk [tilespmem:v31+s16+$0x0], $0xffff;
	(v2sf) =	vpush v17, $0xF;
	v27, _, _ =	vpop (xrf0)  }
0x204: {  	vm13 =	vmand vm12, vm2;
	vm2 =	vmmov vm3;
	v33 =	vld [tilespmem:s15+$0x10];
	(v2sf) =	vpush v27, $0xF  }
0x205: {  	vm12 =	vmmov vm5;
	vm5 =	vmmov vm4;
	vm4 =	vmmov vm6;
	v35 =	vld.idx.msk [tilespmem:v40+s23+$0x0], vm11  }
0x206: {  	v37 =	vadd.s32 v18, v38;
	vm3 =	vgt.f32 v43, $8.500000230e-01;
	v18 =	vmovc v27;
	vm6 =	vgt.f32 v43, v34;
	v34 =	vld.idx.msk [tilespmem:v40+s25+$0x0], vm11  }
0x207: {  	vm3 =	vmand vm3, vm6;
	v38 =	vld.idx.msk [tilespmem:v44+s23+$0x0], vm10;
	[tilespmem:v22+s26+$0x0] =	vst.idx.msk vm8, v12;
	v12 =	vadd.s32 v1, v8;
	v8 =	vmov v26  }
0x208: {  	vm6 =	veq.s32 v19, v21;
	v19 =	vld.idx.msk [tilespmem:v29+s16+$0x0], $0xffff;
	[tilespmem:v22+s28+$0x0] =	vst.idx.msk vm8, v12;
	v22 =	vadd.s32 v1, v11;
	s7 =	spop (v2sf)  }
0x209: {  	vm8 =	vgt.f32 v32, $8.500000230e-01;
	v11 =	vadd.s32 v1, v13;
	v39 =	vld.idx.msk [tilespmem:v44+s25+$0x0], vm10;
	v40 =	vshrl.u32 v33, $0xE;
	[tilespmem:v30+s26+$0x0] =	vst.idx.msk vm1, v16;
	s5 =	sadd.s32 s5, s7  }
0x20a: {  	v26 =	vmovc v36;
	vm3 =	vmand vm3, vm6;
	s7 =	spop (v2sf);
	[tilespmem:v30+s28+$0x0] =	vst.idx.msk vm1, v11;
	vm1 =	vmand vm9, vm13;
	vm9 =	vlt.u32 v40, v0  }
0x20b: {  	vm3 =	vmand vm7, vm3;
	v36 =	vand.u32 $0x3FFF, v33;
	v12 =	vmovc v23;
	v23 =	vmovc v31;
	v13 =	vsel vm1, $0x1, v3;
	[tilespmem:v37+s26+$0x0] =	vst.idx.msk vm5, v10  }
0x20c: {  	v16 =	vsel vm3, $0x1, v3;
	vm6 =	veq.s32 v35, v23;
	vm7 =	vgt.f32 v32, v34;
	v11 =	vmovc v25;
	(xrf0) =	vadd.scan.msk.s32 $0xffff, v13  }
0x20d: {  	s15 =	sadd.s32 $0x40, s15;
	v27 =	vmin.u32 v40, v2;
	v25 =	vmovc v41;
	vm7 =	vmand vm8, vm7;
	(xrf0) =	vadd.scan.msk.s32 $0xffff, v16;
	[tilespmem:v37+s28+$0x0] =	vst.idx.msk vm5, v22  }
0x20e: {  	v10 =	vmovc v24;
	v24 =	vmovc v29;
	vm5 =	vmand vm7, vm6;
	vm6 =	veq.s32 v38, v29;
	vm7 =	vgt.f32 v19, $8.500000230e-01;
	v31 =	vld [tilespmem:s15+$0xFFFFFFE0]  }
0x20f: {  	v29 =	vmov s5;
	vm5 =	vmand vm11, vm5;
	vm8 =	vgt.f32 v19, v39;
	v13 =	vmovc v28;
	v28 =	vmovc v40;
	v33 =	vld [tilespmem:s15+$0xFFFFFFF0]  }
.Ltmp13:
0x210: {  	v16 =	vmovc v14;
	v14 =	vmovc v36;
	v22 =	vadd.s32 $0xFFFFFFFF, v29;
	v19 =	vsel vm5, $0x1, v3;
	vm7 =	vmand vm7, vm8;
	(pc) =	sbr.rel @p3 .LBB2_30-.Ltmp13, $4  }
0x211: {  	v32 =	vbroadcast v22, $0x0;
	vm8 =	vmmov vm12;
	vm6 =	vmand vm7, vm6;
	v29 =	vld [tilespmem:s15+$0x0];
	(xrf0) =	vadd.scan.msk.s32 $0xffff, v19  }
0x212: {  	s7 =	sadd.s32 s5, s7;
	v22 =	vadd.s32 v1, v20;
	v20 =	vmov v7;
	vm6 =	vmand vm10, vm6;
	v34 =	vld.idx.msk [tilespmem:v27+s25+$0x0], vm9;
	s5 =	spop (v2sf);
	v30, _, _ =	vpop (xrf0)  }
0x213: {  	v7 =	vshrl.u32 v31, $0xE;
	v19 =	vand.u32 $0x3FFF, v31;
	v38 =	vld.idx.msk [tilespmem:v36+s16+$0x0], $0xffff;
	v31, _, _ =	vpop (xrf0);
	s5 =	sadd.s32 s7, s5;
	s9 =	spop (v2sf);
	(v2sf) =	vpush v30, $0xF  }
0x214: {  	vm7 =	vlt.u32 v7, v0;
	v35 =	vmin.u32 v7, v2;
	v39 =	vmov s5;
	s5 =	sadd.s32 s5, s9  }
0x215: {  	v40 =	vmov v9;
	v37 =	vmov v12;
	v41 =	vmov v8  }
0x216: {  	v42 =	vmovc v11;
	v43 =	vmovc v13;
	v36 =	vmov v10;
	v9 =	vmov v21;
	v8 =	vmov v26  }
0x217: {  	v12 =	vmovc v23;
	v11 =	vmovc v25;
	v10 =	vmov v24;
	v13 =	vmov v28;
	v28 =	vmov v20  }
.LBB2_32:
0x218: {  	_ = 	snop  }
0x219: {  	v26 =	vld [tilespmem:s15+$0x10]  }
0x21a: {  	v20 =	vshrl.u32 v33, $0xE  }
0x21b: {  	v23 =	vand.u32 $0x3FFF, v33;
	vm14 =	vlt.u32 v20, v0  }
0x21c: {  	v44 =	vld.idx.msk [tilespmem:v19+s16+$0x0], $0xffff;
	v52 =	vmin.u32 v20, v2  }
0x21d: {  	v21 =	vshrl.u32 v29, $0xE;
	v45 =	vld.idx.msk [tilespmem:v35+s25+$0x0], vm7;
	v24 =	vand.u32 $0x3FFF, v29  }
0x21e: {  	v27 =	vld.idx.msk @p1 [tilespmem:v27+s23+$0x0], vm9;
	vm10 =	vgt.f32 @p1 v38, v34;
	vm11 =	vgt.f32 @p1 v38, $8.500000230e-01;
	v25 =	vshrl.u32 v26, $0xE  }
0x21f: {  	v54 =	vld.idx.msk [tilespmem:v35+s23+$0x0], vm7;
	v56 =	vimm.s32 $0x0;
	vm13 =	vlt.u32 v21, v0;
	vm12 =	vlt.u32 v25, v0  }
0x220: {  	(v2sf) =	vpush @p1 v31, $0xF;
	v53 =	vmin.u32 v21, v2;
	v46 =	vld.idx.msk [tilespmem:v23+s16+$0x0], $0xffff;
	v38 =	vsel vm12, $0xFFFFFFFF, v56  }
0x221: {  	v35 =	vmov @p2 s7;
	v15 =	vadd.s32 @p2 v15, v32;
	v28 =	vadd.s32 @p1 v1, v28;
	v55 =	vld.idx.msk [tilespmem:v52+s25+$0x0], vm14;
	[tilespmem:$0x1FFF0] =	vst v38  }
0x222: {  	v31 =	vpsel p1, v31, v0;
	vm10 =	vmand @p1 vm11, vm10;
	vm15 =	vgt.f32 v44, v45;
	v33 =	vld.idx.msk [tilespmem:v52+s23+$0x0], vm14  }
0x223: {  	vm11 =	vgt.f32 v44, $8.500000230e-01;
	vm12 =	vmmov vm9;
	vm9 =	veq.s32 @p1 v27, v14;
	v58 =	vld.idx.msk [tilespmem:v24+s16+$0x0], $0xffff  }
0x224: {  	v26 =	vand.u32 $0x3FFF, v26;
	v38 =	vsel @p1 vm6, $0x1, v3;
	vm9 =	vmand @p1 vm10, vm9;
	v60 =	vld [tilespmem:$0x1FFF0]  }
0x225: {  	vm11 =	vmand vm11, vm15;
	vm15 =	veq.s32 v54, v19;
	v27, _, _ =	vpop @p1 (xrf0);
	v59 =	vld.idx.msk [tilespmem:v53+s25+$0x0], vm13;
	(xrf0) =	vadd.scan.msk.s32 @p1 $0xffff, v38;
	vm12 =	vmand @p1 vm12, vm9  }
0x226: {  	v57 =	vmin.u32 v25, v2;
	vm10 =	vmand vm11, vm15;
	v29 =	vld.idx.msk [tilespmem:v53+s23+$0x0], vm13;
	v34 =	vsel @p1 vm12, $0x1, v3  }
0x227: {  	(v2sf) =	vpush @p1 v27, $0xF;
	vm11 =	vgt.f32 v46, $8.500000230e-01;
	(xrf0) =	vadd.scan.msk.s32 @p1 $0xffff, v34;
	vm15 =	vgt.f32 v46, v55  }
0x228: {  	vm10 =	vmand vm7, vm10;
	vm9 =	vmand vm11, vm15;
	vm11 =	veq.s32 v33, v23  }
0x229: {  	v63 =	vsel vm10, $0x1, v3;
	vm15 =	vnez.u8 v60;
	vm11 =	vmand vm9, vm11  }
0x22a: {  	vm7 =	vgt.f32 v58, $8.500000230e-01;
	vm9 =	vmand vm14, vm11;
	vm14 =	vgt.f32 v58, v59  }
0x22b: {  	vm7 =	vmand vm7, vm14;
	vm14 =	veq.s32 v29, v24;
	v29 =	vadd.s32 @p2 $0xFFFFFFFF, v35;
	v35, _, _ =	vpop @p1 (xrf0);
	(xrf0) =	vadd.scan.msk.s32 $0xffff, v63  }
0x22c: {  	v9 =	vpsel p1, v9, v0;
	vm7 =	vmand vm7, vm14;
	(v2sf) =	vpush @p1 v35, $0xF  }
0x22d: {  	v12 =	vpsel p1, v12, v0;
	v48 =	vsel vm9, $0x1, v3;
	v34, _, _ =	vpop @p1 (xrf0);
	vm7 =	vmand vm13, vm7  }
0x22e: {  	v8 =	vpsel p1, v8, v0;
	v61 =	vld.idx.msk [tilespmem:v26+s16+$0x0], $0xffff;
	(xrf0) =	vadd.scan.msk.s32 $0xffff, v48;
	(v2sf) =	vpush @p1 v34, $0xF;
	v49 =	vsel vm7, $0x1, v3  }
0x22f: {  	v13 =	vpsel p1, v13, v0;
	v27 =	vpsel p1, v27, v0;
	v38 =	vadd.s32 @p2 $0xFFFFFFFF, v39;
	v33 =	vld.idx.msk [tilespmem:v57+s25+$0x0], vm15;
	(xrf0) =	vadd.scan.msk.s32 $0xffff, v49  }
0x230: {  	v39 =	vadd.s32 @p2 v1, v41;
	v41 =	vadd.s32 @p2 v1, v42;
	[tilespmem:v15+s26+$0x0] =	vst.idx.msk @p2 vm2, v40;
	v32 =	vbroadcast @p2 v38, $0x0  }
0x231: {  	v42 =	vadd.s32 @p2 v1, v43;
	[tilespmem:v15+s28+$0x0] =	vst.idx.msk @p2 vm2, v22;
	v22 =	vpsel p1, v28, v0;
	v50, _, _ =	vpop (xrf0)  }
0x232: {  	s7 =	spop @p2 (v2sf);
	v18 =	vadd.s32 @p2 v18, v32;
	v29 =	vbroadcast @p2 v29, $0x0;
	v62 =	vld.idx.msk [tilespmem:v57+s23+$0x0], vm15;
	(v2sf) =	vpush v50, $0xF  }
0x233: {  	vm14 =	vmmov @p1 vm3;
	vm3 =	vmmov @p2 vm4;
	vm13 =	vgt.f32 v61, $8.500000230e-01  }
0x234: {  	v17 =	vadd.s32 @p2 v17, v29;
	v51, _, _ =	vpop (xrf0);
	vm11 =	vgt.f32 v61, v33;
	v33 =	vmov @p2 s5;
	s5 =	sadd.s32 @p2 s5, s7;
	s7 =	simm.s32 $0x0  }
0x235: {  	vm4 =	vmmov @p1 vm14;
	v33 =	vadd.s32 @p2 $0xFFFFFFFF, v33;
	s7 =	smov.u32 @p2 s5;
	s5 =	spop @p1 (v2sf);
	(v2sf) =	vpush v51, $0xF;
	v52, _, _ =	vpop (xrf0)  }
0x236: {  	v33 =	vbroadcast @p2 v33, $0x0;
	v32 =	vmov @p1 s7;
	s5 =	sadd.s32 @p1 s7, s5;
	s7 =	spop @p1 (v2sf);
	(v2sf) =	vpush v52, $0xF  }
0x237: {  	v34 =	vpsel p1, v34, v0;
	vm11 =	vmand vm13, vm11;
	vm13 =	veq.s32 v62, v26  }
0x238: {  	vm13 =	vmand vm11, vm13;
	vm11 =	vmmov @p1 vm5;
	v29 =	vadd.s32 @p2 v30, v33  }
0x239: {  	[tilespmem:v17+s26+$0x0] =	vst.idx.msk @p2 vm8, v37;
	vm5 =	vmmov @p1 vm6;
	v32 =	vadd.s32 @p1 $0xFFFFFFFF, v32;
	s7 =	sadd.s32 @p1 s5, s7;
	vm2 =	vmand vm15, vm13;
	s5 =	smov.u32 @p1 s5  }
0x23a: {  	[tilespmem:v17+s28+$0x0] =	vst.idx.msk @p2 vm8, v39;
	v32 =	vbroadcast @p1 v32, $0x0;
	v53 =	vsel vm2, $0x1, v3;
	v28 =	vmov @p1 s5  }
0x23b: {  	vm11 =	vmmov @p1 vm11;
	vm6 =	vmmov @p1 vm5;
	(xrf0) =	vadd.scan.msk.s32 $0xffff, v53;
	v17 =	vadd.s32 @p1 $0xFFFFFFFF, v28;
	s8 =	spop @p1 (v2sf)  }
0x23c: {  	v40 =	vmov @p1 s7;
	v32 =	vpsel p1, v32, v0;
	v17 =	vbroadcast @p1 v17, $0x0;
	s7 =	sadd.s32 @p1 s7, s8  }
0x23d: {  	vm5 =	vmmov @p1 vm11;
	v40 =	vpsel p1, v40, v0;
	[tilespmem:v29+s26+$0x0] =	vst.idx.msk @p2 vm1, v16;
	v16 =	vadd.s32 @p1 v31, v32;
	s5 =	smov.u32 @p1 s7;
	s7 =	spop @p1 (v2sf)  }
0x23e: {  	v15 =	vmovc @p1 v35;
	v17 =	vadd.s32 @p1 v27, v17;
	[tilespmem:v29+s28+$0x0] =	vst.idx.msk @p2 vm1, v42;
	v29 =	vadd.s32 @p1 $0xFFFFFFFF, v40;
	v28 =	vmov @p1 s5;
	s5 =	sadd.s32 @p1 s5, s7  }
0x23f: {  	v15 =	vpsel p1, v15, v0;
	v27 =	vbroadcast @p1 v29, $0x0;
	v28 =	vadd.s32 @p1 $0xFFFFFFFF, v28;
	s14 =	smov.u32 @p1 s5  }
0x240: {  	[tilespmem:v18+s26+$0x0] =	vst.idx.msk @p2 vm3, v36;
	vm6 =	vmmov @p1 vm6;
	v28 =	vbroadcast @p1 v28, $0x0;
	v55 =	vmov s14  }
0x241: {  	[tilespmem:v18+s28+$0x0] =	vst.idx.msk @p2 vm3, v41;
	vm1 =	vmmov @p1 vm12;
	v54, _, _ =	vpop (xrf0);
	v15 =	vadd.s32 @p1 v15, v27;
	s7 =	spop (v2sf);
	v56 =	vadd.s32 $0xFFFFFFFF, v55  }
0x242: {  	(v2sf) =	vpush v54, $0xF;
	[tilespmem:v16+s26+$0x0] =	vst.idx.msk @p1 vm4, v9;
	v18 =	vadd.s32 @p1 v34, v28;
	s5 =	sadd.s32 s14, s7;
	v9 =	vbroadcast v56, $0x0  }
0x243: {  	v8 =	vadd.s32 @p1 v1, v8;
	vm3 =	vmmov vm10;
	[tilespmem:v17+s26+$0x0] =	vst.idx.msk @p1 vm5, v12;
	v57 =	vmov s5  }
0x244: {  	v10 =	vpsel p1, v10, v0;
	[tilespmem:v17+s28+$0x0] =	vst.idx.msk @p1 vm5, v8;
	s8 =	spop (v2sf);
	v58 =	vadd.s32 $0xFFFFFFFF, v57;
	v8 =	vadd.s32 v50, v9  }
0x245: {  	v13 =	vadd.s32 @p1 v1, v13;
	vm15 =	vmmov vm9;
	[tilespmem:v16+s28+$0x0] =	vst.idx.msk @p1 vm4, v22;
	s7 =	sadd.s32 s5, s8;
	s9 =	spop (v2sf);
	v59 =	vbroadcast v58, $0x0  }
0x246: {  	v14 =	vpsel p1, v14, v0;
	vm4 =	vmmov vm15;
	v61 =	vmov s7;
	[tilespmem:v15+s26+$0x0] =	vst.idx.msk @p1 vm6, v10;
	s14 =	sadd.s32 s7, s9  }
0x247: {  	v62 =	vadd.s32 $0xFFFFFFFF, v61;
	v60 =	vmov s14;
	[tilespmem:v18+s26+$0x0] =	vst.idx.msk @p1 vm1, v14;
	v9 =	vadd.s32 v51, v59  }
0x248: {  	v10 =	vbroadcast v62, $0x0;
	v12 =	vadd.s32 $0xFFFFFFFF, v60;
	[tilespmem:v18+s28+$0x0] =	vst.idx.msk @p1 vm1, v13;
	vm1 =	vmmov vm7  }
0x249: {  	v7 =	vadd.s32 v1, v7;
	v12 =	vbroadcast v12, $0x0;
	[tilespmem:v8+s26+$0x0] =	vst.idx.msk vm3, v19;
	vm1 =	vmmov vm1  }
0x24a: {  	v11 =	vpsel p1, v11, v0;
	[tilespmem:v8+s28+$0x0] =	vst.idx.msk vm3, v7;
	v7 =	vadd.s32 v52, v10  }
0x24b: {  	v11 =	vadd.s32 @p1 v1, v11;
	v63 =	vadd.s32 v54, v12  }
0x24c: {  	[tilespmem:v15+s28+$0x0] =	vst.idx.msk @p1 vm6, v11  }
0x24d: {  	v8 =	vadd.s32 v1, v20;
	[tilespmem:v9+s26+$0x0] =	vst.idx.msk vm4, v23  }
.Ltmp14:
0x24e: {  	[tilespmem:v9+s28+$0x0] =	vst.idx.msk vm4, v8;
	(pc) =	sbr.rel .LBB2_15-.Ltmp14, $4  }
0x24f: {  	[tilespmem:v7+s26+$0x0] =	vst.idx.msk vm1, v24  }
0x250: {  	v8 =	vadd.s32 v1, v25;
	[tilespmem:v63+s26+$0x0] =	vst.idx.msk vm2, v26  }
0x251: {  	s15 =	spop (v2sf);
	[tilespmem:v63+s28+$0x0] =	vst.idx.msk vm2, v8;
	v8 =	vadd.s32 v1, v21  }
0x252: {  	s5 =	sadd.s32 s14, s15;
	[tilespmem:v7+s28+$0x0] =	vst.idx.msk vm1, v8  }
.LBB2_14:
0x253: {  	s5 =	simm.s32 $0x0  }
.LBB2_15:
0x254: {  	s7 =	ssub.s32 s3, s13  }
0x255: {  	p1 =	slt.s32 s7, $0x1  }
.Ltmp15:
0x256: {  	_ = 	snop;
	(pc) =	sbr.rel @p1 .LBB2_18-.Ltmp15, $1  }
0x257: {  	_ =	sdelay $0x3  }
0x258: {  	s7 =	sshll.u32 s13, $0x6  }
0x259: {  	s7 =	sshra.s32 s7, $0x2  }
0x25a: {  	s7 =	sadd.s32 $0x8C80, s7  }
.LBB2_17:
0x25b: {  	v7 =	vld [tilespmem:s7+$0x0];
	_ =	sdelay $0x4  }
0x25c: {  	v8 =	vshrl.u32 v7, $0xE  }
0x25d: {  	v7 =	vand.u32 $0x3FFF, v7;
	vm1 =	vlt.u32 v8, v0  }
0x25e: {  	v9 =	vmin.u32 v8, v2;
	_ =	sdelay $0x3  }
0x25f: {  	v10 =	vld.idx.msk [tilespmem:v7+s16+$0x0], $0xffff  }
0x260: {  	v11 =	vld.idx.msk [tilespmem:v9+s25+$0x0], vm1  }
0x261: {  	v9 =	vld.idx.msk [tilespmem:v9+s23+$0x0], vm1;
	_ =	sdelay $0x3  }
0x262: {  	vm2 =	vgt.f32 v10, $8.500000230e-01;
	vm3 =	vgt.f32 v10, v11  }
0x263: {  	vm4 =	veq.s32 v9, v7;
	vm2 =	vmand vm2, vm3  }
0x264: {  	vm2 =	vmand vm2, vm4  }
0x265: {  	vm1 =	vmand vm1, vm2  }
0x266: {  	v62 =	vsel vm1, $0x1, v3  }
0x267: {  	(xrf0) =	vadd.scan.msk.s32 $0xffff, v62;
	_ =	sdelay $0x5  }
0x268: {  	v9, _, _ =	vpop (xrf0)  }
0x269: {  	(v2sf) =	vpush v9, $0xF;
	_ =	sdelay $0x5  }
0x26a: {  	v63 =	vmov s5  }
0x26b: {  	v10 =	vadd.s32 $0xFFFFFFFF, v63  }
0x26c: {  	v10 =	vbroadcast v10, $0x0;
	_ =	sdelay $0x1  }
0x26d: {  	s13 =	sadd.s32 $0x1, s13;
	v9 =	vadd.s32 v9, v10  }
0x26e: {  	p1 =	slt.s32 s13, s3  }
.Ltmp16:
0x26f: {  	_ = 	snop;
	(pc) =	sbr.rel @p1 .LBB2_17-.Ltmp16, $3  }
0x270: {  	_ =	sdelay $0x1  }
0x271: {  	[tilespmem:v9+s26+$0x0] =	vst.idx.msk vm1, v7;
	v7 =	vadd.s32 v1, v8;
	s8 =	spop (v2sf)  }
0x272: {  	s7 =	sadd.s32 $0x10, s7;
	[tilespmem:v9+s28+$0x0] =	vst.idx.msk vm1, v7;
	s5 =	sadd.s32 s5, s8  }
.LBB2_18:
0x273: {  	p1 =	slt.s32 s5, $0x1  }
0x274: {  	s3 =	simm.s32 @!p1 $0xD980;
	v7 =	vlaneseq.u32 @!p1  }
0x275: {  	s8 =	simm.s32 @!p1 $0xE980;
	v8 =	vld.msk @!p1 [tilespmem:s3+$0x0], $0xffff;
	v9 =	vadd.s32 @!p1 s5, v7  }
0x276: {  	v10 =	vld.msk @!p1 [tilespmem:s8+$0x0], $0xffff;
	v11 =	vor.u32 @!p1 $0x10, v7  }
0x277: {  	v11 =	vadd.s32 @!p1 s5, v11  }
0x278: {  	v12 =	vor.u32 @!p1 $0x20, v7  }
0x279: {  	v12 =	vadd.s32 @!p1 s5, v12  }
0x27a: {  	v13 =	vor.u32 @!p1 $0x30, v7;
	[tilespmem:v9+s3+$0x0] =	vst.idx.msk @!p1 $0xffff, v8  }
0x27b: {  	[tilespmem:v9+s8+$0x0] =	vst.idx.msk @!p1 $0xffff, v10;
	v9 =	vadd.s32 @!p1 s5, v13  }
0x27c: {  	[tilespmem:v11+s3+$0x0] =	vst.idx.msk @!p1 $0xffff, v8  }
0x27d: {  	v13 =	vor.u32 @!p1 $0x40, v7;
	[tilespmem:v11+s8+$0x0] =	vst.idx.msk @!p1 $0xffff, v10  }
0x27e: {  	s7 =	sadd.s32 $0x7F, s5;
	v11 =	vadd.s32 @!p1 s5, v13;
	[tilespmem:v12+s3+$0x0] =	vst.idx.msk @!p1 $0xffff, v8  }
0x27f: {  	s9 =	sand.u32 $0x7F, s7;
	v13 =	vor.u32 @!p1 $0x50, v7;
	[tilespmem:v12+s8+$0x0] =	vst.idx.msk @!p1 $0xffff, v10  }
0x280: {  	s15 =	sshra.s32 s7, $0x1F;
	p3 =	slt.s32 s7, $0x1;
	p2 =	sne.s32 s9, $0x0;
	v12 =	vadd.s32 @!p1 s5, v13;
	v13 =	vor.u32 @!p1 $0x60, v7;
	v7 =	vor.u32 @!p1 $0x70, v7;
	[tilespmem:v9+s3+$0x0] =	vst.idx.msk @!p1 $0xffff, v8  }
0x281: {  	p2 =	por !p3, !p2;
	v7 =	vadd.s32 @!p1 s5, v7;
	[tilespmem:v9+s8+$0x0] =	vst.idx.msk @!p1 $0xffff, v10;
	v9 =	vadd.s32 @!p1 s5, v13;
	s5 =	sshrl.u32 s15, $0x19  }
0x282: {  	p2 =	por !p2, !p2;
	s5 =	sadd.s32 s5, s7;
	s7 =	simm.s32 $0x1  }
0x283: {  	[tilespmem:v11+s3+$0x0] =	vst.idx.msk @!p1 $0xffff, v8;
	s5 =	sshra.s32 s5, $0x7;
	s7 =	simm.s32 @!p2 $0x0  }
0x284: {  	[tilespmem:v11+s8+$0x0] =	vst.idx.msk @!p1 $0xffff, v10;
	s7 =	ssub.s32 s5, s7  }
0x285: {  	[tilespmem:v12+s3+$0x0] =	vst.idx.msk @!p1 $0xffff, v8;
	p2 =	slt.s32 s7, $0x1  }
.Ltmp17:
0x286: {  	[tilespmem:v12+s8+$0x0] =	vst.idx.msk @!p1 $0xffff, v10;
	(pc) =	sbr.rel @p2 .LBB2_22-.Ltmp17, $4  }
0x287: {  	[tilespmem:v9+s3+$0x0] =	vst.idx.msk @!p1 $0xffff, v8  }
0x288: {  	[tilespmem:v9+s8+$0x0] =	vst.idx.msk @!p1 $0xffff, v10  }
0x289: {  	[tilespmem:v7+s3+$0x0] =	vst.idx.msk @!p1 $0xffff, v8  }
0x28a: {  	[tilespmem:v7+s8+$0x0] =	vst.idx.msk @!p1 $0xffff, v10  }
0x28b: {  	s3 =	simm.s32 $0xD980  }
0x28c: {  	[tilespmem:s30], [sflag:$0x7] =	stream.indirect.gather [hbm4b:s2+s29], $0x80, s3, s29, $0xb8;
	[tilespmem:$0x13A00] =	vst v63  }
0x28d: {  	p1 =	sne.s32 s7, $0x1;
	_ =	swait.ge [sflag:s31], $0x4000  }
.Ltmp18:
0x28e: {  	[sflag:s31] =	ssyncset.done $0x0;
	(pc) =	sbr.rel @!p1 .LBB2_21-.Ltmp18, $4  }
0x28f: {  	s5 =	simm.s32 $0xE980;
	[sflag:s31] =	ssyncadd.s32 $0xFFFFC000  }
0x290: {  	[hbm4b:s1+s29] =	stream.indirect.scatter [tilespmem:s30], [sflag:$0x8], $0x80, s5, s29, $0xb8;
	[tilespmem:$0x13A00] =	vst v63  }
0x291: {  	_ =	swait.ge [sflag:s0], $0x4000  }
0x292: {  	s7 =	sadd.s32 $0xFFFFFFFF, s7;
	[sflag:s0] =	ssyncset.done $0x0  }
.LBB2_20:
0x293: {  	[sflag:s0] =	ssyncadd.s32 $0xFFFFC000;
	s3 =	sadd.s32 $0x80, s3;
	s5 =	sadd.s32 $0x80, s5  }
0x294: {  	[tilespmem:s30], [sflag:$0x7] =	stream.indirect.gather [hbm4b:s2+s29], $0x80, s3, s29, $0xb8;
	[tilespmem:$0x13A00] =	vst v63  }
0x295: {  	p1 =	sne.s32 s7, $0x1;
	s7 =	sadd.s32 $0xFFFFFFFF, s7;
	_ =	swait.ge [sflag:s31], $0x4000  }
.Ltmp19:
0x296: {  	[sflag:s31] =	ssyncset.done $0x0;
	(pc) =	sbr.rel @p1 .LBB2_20-.Ltmp19, $4  }
0x297: {  	[sflag:s31] =	ssyncadd.s32 $0xFFFFC000  }
0x298: {  	[hbm4b:s1+s29] =	stream.indirect.scatter [tilespmem:s30], [sflag:$0x8], $0x80, s5, s29, $0xb8;
	[tilespmem:$0x13A00] =	vst v63  }
0x299: {  	_ =	swait.ge [sflag:s0], $0x4000  }
0x29a: {  	[sflag:s0] =	ssyncset.done $0x0  }
.Ltmp20:
0x29b: {  	_ = 	snop;
	(pc) =	sbr.rel .LBB2_21-.Ltmp20, $1  }
0x29c: {  	_ =	sdelay $0x3  }
.LBB2_25:
.Ltmp21:
0x29d: {  	(pc) =	sbr.rel .LBB2_32-.Ltmp21, $2  }
0x29e: {  	_ =	sdelay $0x2  }
0x29f: {  	v19 =	vmov v9  }
.LBB2_27:
.Ltmp22:
0x2a0: {  	(pc) =	sbr.rel .LBB2_32-.Ltmp22, $2  }
0x2a1: {  	_ =	sdelay $0x2  }
0x2a2: {  	v31 =	vmovc v15;
	v14 =	vmovc v16;
	v28 =	vmov v7;
	v19 =	vmov v21;
	v7 =	vmov v20  }
.LBB2_29:
.Ltmp23:
0x2a3: {  	(pc) =	sbr.rel .LBB2_32-.Ltmp23, $4  }
0x2a4: {  	_ = 	snop  }
0x2a5: {  	v40 =	vmov v9;
	v37 =	vmov v12;
	v41 =	vmov v8  }
0x2a6: {  	v42 =	vmovc v11;
	v43 =	vmovc v13;
	v36 =	vmov v10;
	v9 =	vmov v21;
	v8 =	vmov v26  }
0x2a7: {  	v12 =	vmovc v23;
	v11 =	vmovc v25;
	v10 =	vmov v24;
	v13 =	vmov v28;
	v28 =	vmov v20  }
.LBB2_23:
0x2a8: {  	_ =	sfence.sel $0x180000  }
0x2a9: {  	[bflag:$0x0] =	sbarrier.arrive $0xFFFF  }
0x2aa: {  	_ =	strace $0x90000047  }
0x2ab: {  	s0 =	stileid.u32;
	[bflag:$0x2] =	sbarrier.arrive $0xFFFF  }
0x2ac: {  	p0 =	sne.s32 s0, $0x0;
	s0 =	rddreg [dreg:$0x5]  }
0x2ad: {  	s0 =	sadd.s32 @!p0 $0x100000, s0  }
0x2ae: {  	[sflag:s0] =	ssyncadd.tile.s32 @!p0 $0x1;
	_ =	shalt  }
.Lfunc_end2:
_tile_overlayer_lowered:
.L_overlay_start_2:
0x2af: {  	(tag) =	ssettag $0x2  }
0x2b0: {  	s0 =	rddreg [dreg:$0x0];
	s2 =	stileid.u32  }
0x2b1: {  	s1 =	rddreg [dreg:$0x1];
	p0 =	sne.s32 s2, $0x0  }
0x2b2: {  	s3 =	rddreg [dreg:$0x2];
	[bflag:$0x3] =	sbarrier.arrive $0xFFFF;
	s2 =	simm.s32 @!p0 $0x1C09  }
0x2b3: {  	[timem:s3], [sflag:s2] =	dma.local @!p0 [hbm:s0], s1  }
0x2b4: {  	s0 =	simm.s32 @!p0 $0x9  }
0x2b5: {  	_ =	swait.ge @!p0 [sflag:s0], s1  }
0x2b6: {  	s1 =	ssub.s32 @!p0 $0x0, s1;
	[sflag:s0] =	ssyncset.done @!p0 $0x0  }
0x2b7: {  	[sflag:s0] =	ssyncadd.s32 @!p0 s1  }
0x2b8: {  	[bflag:$0x3] =	sbarrier.arrive $0xFFFF  }
0x2b9: {  	_ =	shalt  }

</sc_bundles>
